<compile_context>
chip_gen: v7x
topology: tpu7x:2x2x1
jax: 0.10.2.dev20260603
libtpu: 0.0.44.dev20260713+nightly
codegen_flags: <defaults>
</compile_context>

<pallas_src>
import functools

import jax
import jax.numpy as jnp
from jax import lax
from jax.experimental import pallas as pl
from jax.experimental.pallas import tpu as pltpu
from jax.experimental.pallas import tpu_sc as plsc

BATCH = 16384
USER_DIM = 64
SMALL_DIM = 16
FC_IN = 128
OUT_DIM = 128
NUSERS = 1000000
HALF = NUSERS // 2

NC = 2
NS = 16
NW = NC * NS
B_PER_W = BATCH // NW
N_GRP = B_PER_W // 16


def _sc_bias(user_id, bias_flat):
  mesh = plsc.VectorSubcoreMesh(core_axis_name="c", subcore_axis_name="s",
                                num_cores=NC, num_subcores=NS)

  @functools.partial(
      pl.kernel,
      out_type=jax.ShapeDtypeStruct((BATCH,), jnp.float32),
      mesh=mesh,
      compiler_params=pltpu.CompilerParams(use_tc_tiling_on_sc=False),
      scratch_types=[
          pltpu.VMEM((B_PER_W,), jnp.int32),
          pltpu.VMEM((B_PER_W,), jnp.float32),
          pltpu.SemaphoreType.DMA,
      ],
  )
  def k(uid_h, bias_h, b_out, uidx, b_v, sem):
    wid = lax.axis_index("s") * NC + lax.axis_index("c")
    base = wid * B_PER_W
    pltpu.sync_copy(uid_h.at[pl.ds(base, B_PER_W)], uidx)
    pltpu.async_copy(bias_h.at[uidx], b_v, sem).wait()
    pltpu.sync_copy(b_v, b_out.at[pl.ds(base, B_PER_W)])

  return k(user_id, bias_flat)


_QC = 2048
_BCOLS = 4 * _QC
_NBLK = -(-NUSERS // _BCOLS)
N4 = _NBLK * _QC
_HD = USER_DIM // 2


def _tc_repack(ut):
  def body(x_ref, out_ref):
    x = x_ref[...]
    lo = lax.bitcast_convert_type(
        x[:_HD, :].astype(jnp.bfloat16), jnp.uint16).astype(jnp.uint32)
    hi = lax.bitcast_convert_type(
        x[_HD:, :].astype(jnp.bfloat16), jnp.uint16).astype(jnp.uint32)
    packed = lax.bitcast_convert_type((hi << 16) | lo, jnp.float32)
    parts = [
        jnp.transpose(packed[:, q * _QC:(q + 1) * _QC], (1, 0))
        for q in range(4)
    ]
    out_ref[...] = jnp.concatenate(parts, axis=1)

  return pl.pallas_call(
      body,
      grid=(_NBLK,),
      in_specs=[pl.BlockSpec((USER_DIM, _BCOLS), lambda i: (0, i))],
      out_specs=pl.BlockSpec((_QC, FC_IN), lambda i: (i, 0)),
      out_shape=jax.ShapeDtypeStruct((N4, FC_IN), jnp.float32),
  )(ut)


def _sc_gather(idx2, age, gender, occupation, zip_area,
               u2, eat, egt, eot, ezt):
  mesh = plsc.VectorSubcoreMesh(core_axis_name="c", subcore_axis_name="s",
                                num_cores=NC, num_subcores=NS)

  @functools.partial(
      pl.kernel,
      out_type=(
          jax.ShapeDtypeStruct((BATCH, FC_IN), jnp.float32),
          jax.ShapeDtypeStruct((SMALL_DIM, BATCH), jnp.float32),
          jax.ShapeDtypeStruct((SMALL_DIM, BATCH), jnp.float32),
          jax.ShapeDtypeStruct((SMALL_DIM, BATCH), jnp.float32),
          jax.ShapeDtypeStruct((SMALL_DIM, BATCH), jnp.float32),
      ),
      mesh=mesh,
      compiler_params=pltpu.CompilerParams(needs_layout_passes=False),
      scratch_types=[
          pltpu.VMEM((B_PER_W,), jnp.int32),
          pltpu.VMEM((B_PER_W,), jnp.int32),
          pltpu.VMEM((B_PER_W,), jnp.int32),
          pltpu.VMEM((B_PER_W,), jnp.int32),
          pltpu.VMEM((B_PER_W,), jnp.int32),
          pltpu.VMEM((B_PER_W, FC_IN), jnp.float32),
          pltpu.VMEM((SMALL_DIM, B_PER_W), jnp.float32),
          pltpu.VMEM((SMALL_DIM, B_PER_W), jnp.float32),
          pltpu.VMEM((SMALL_DIM, B_PER_W), jnp.float32),
          pltpu.VMEM((SMALL_DIM, B_PER_W), jnp.float32),
          pltpu.VMEM((SMALL_DIM, 8), jnp.float32),
          pltpu.VMEM((SMALL_DIM, 3), jnp.float32),
          pltpu.VMEM((SMALL_DIM, 64), jnp.float32),
          pltpu.VMEM((SMALL_DIM, 1000), jnp.float32),
          pltpu.SemaphoreType.DMA,
      ],
  )
  def k(idx_h, age_h, gen_h, occ_h, zip_h,
        u2_h, eat_h, egt_h, eot_h, ezt_h,
        p_out, a_out, g_out, o_out, z_out,
        uidx, aidx, gidx, oidx, zidx,
        p_v, a_v, g_v, o_v, z_v,
        ea_v, eg_v, eo_v, ez_v, sem):
    wid = lax.axis_index("s") * NC + lax.axis_index("c")
    base = wid * B_PER_W
    pltpu.sync_copy(idx_h.at[pl.ds(base, B_PER_W)], uidx)
    pltpu.sync_copy(age_h.at[pl.ds(base, B_PER_W)], aidx)
    pltpu.sync_copy(gen_h.at[pl.ds(base, B_PER_W)], gidx)
    pltpu.sync_copy(occ_h.at[pl.ds(base, B_PER_W)], oidx)
    pltpu.sync_copy(zip_h.at[pl.ds(base, B_PER_W)], zidx)
    pltpu.sync_copy(eat_h, ea_v)
    pltpu.sync_copy(egt_h, eg_v)
    pltpu.sync_copy(eot_h, eo_v)
    pltpu.sync_copy(ezt_h, ez_v)

    du = pltpu.async_copy(u2_h.at[uidx], p_v, sem)

    def grp(g, carry):
      s = g * 16
      ia = aidx[pl.ds(s, 16)]
      ig = gidx[pl.ds(s, 16)]
      io = oidx[pl.ds(s, 16)]
      iz = zidx[pl.ds(s, 16)]
      for f in range(SMALL_DIM):
        fv = jnp.full((16,), f, jnp.int32)
        a_v[f, pl.ds(s, 16)] = plsc.load_gather(ea_v, [fv, ia])
        g_v[f, pl.ds(s, 16)] = plsc.load_gather(eg_v, [fv, ig])
        o_v[f, pl.ds(s, 16)] = plsc.load_gather(eo_v, [fv, io])
        z_v[f, pl.ds(s, 16)] = plsc.load_gather(ez_v, [fv, iz])
      return carry

    lax.fori_loop(0, N_GRP, grp, 0, unroll=False)
    du.wait()

    pltpu.sync_copy(p_v, p_out.at[pl.ds(base, B_PER_W)])
    pltpu.sync_copy(a_v, a_out.at[:, pl.ds(base, B_PER_W)])
    pltpu.sync_copy(g_v, g_out.at[:, pl.ds(base, B_PER_W)])
    pltpu.sync_copy(o_v, o_out.at[:, pl.ds(base, B_PER_W)])
    pltpu.sync_copy(z_v, z_out.at[:, pl.ds(base, B_PER_W)])

  return k(idx2, age, gender, occupation, zip_area, u2, eat, egt, eot, ezt)


_BB = 2048


def _tc_head(pairs, quarterf, at_g, gt_g, ot_g, zt_g, fc_W, fc_b2):
  def body(p_ref, qf_ref, a_ref, g_ref, o_ref, z_ref,
           w_ref, b_ref, out_ref):
    pw = lax.bitcast_convert_type(p_ref[...], jnp.uint32)
    qf = qf_ref[...]
    sel = jnp.where(
        qf[:, 0:1] > 0.5, pw[:, :_HD],
        jnp.where(qf[:, 1:2] > 0.5, pw[:, _HD:2 * _HD],
                  jnp.where(qf[:, 2:3] > 0.5, pw[:, 2 * _HD:3 * _HD],
                            pw[:, 3 * _HD:])))
    lo = lax.bitcast_convert_type(
        (sel & 0xFFFF).astype(jnp.uint16), jnp.bfloat16).astype(jnp.float32)
    hi = lax.bitcast_convert_type(
        (sel >> 16).astype(jnp.uint16), jnp.bfloat16).astype(jnp.float32)
    u = jnp.maximum(jnp.concatenate([lo, hi], axis=1), 0.0)
    w = w_ref[...]
    yu = lax.dot_general(u, w[:, :USER_DIM], (((1,), (1,)), ((), ())),
                         preferred_element_type=jnp.float32)
    st = jnp.concatenate(
        [a_ref[...], g_ref[...], o_ref[...], z_ref[...]], axis=0)
    st = jnp.maximum(st, 0.0)
    ys = lax.dot_general(st, w[:, USER_DIM:], (((0,), (1,)), ((), ())),
                         preferred_element_type=jnp.float32)
    out_ref[...] = yu + ys + b_ref[...]

  return pl.pallas_call(
      body,
      grid=(BATCH // _BB,),
      in_specs=[
          pl.BlockSpec((_BB, FC_IN), lambda i: (i, 0)),
          pl.BlockSpec((_BB, 4), lambda i: (i, 0)),
          pl.BlockSpec((SMALL_DIM, _BB), lambda i: (0, i)),
          pl.BlockSpec((SMALL_DIM, _BB), lambda i: (0, i)),
          pl.BlockSpec((SMALL_DIM, _BB), lambda i: (0, i)),
          pl.BlockSpec((SMALL_DIM, _BB), lambda i: (0, i)),
          pl.BlockSpec((OUT_DIM, FC_IN), lambda i: (0, 0)),
          pl.BlockSpec((1, OUT_DIM), lambda i: (0, 0)),
      ],
      out_specs=pl.BlockSpec((_BB, OUT_DIM), lambda i: (i, 0)),
      out_shape=jax.ShapeDtypeStruct((BATCH, OUT_DIM), jnp.float32),
  )(pairs, quarterf, at_g, gt_g, ot_g, zt_g, fc_W, fc_b2)


def kernel(user_id, age, gender, occupation, zip_area, emb_users, bias_user,
           emb_age, emb_gender, emb_occupation, emb_zip_area, fc_W, fc_b):
  b = _sc_bias(user_id, bias_user.reshape(-1))
  u4 = _tc_repack(emb_users.T)
  rr = user_id % _BCOLS
  idx4 = (user_id // _BCOLS) * _QC + (rr % _QC)
  q = rr // _QC
  quarterf = (q[:, None] == jnp.arange(4)[None, :]).astype(jnp.float32)
  pairs, at_g, gt_g, ot_g, zt_g = _sc_gather(
      idx4, age, gender, occupation, zip_area, u4,
      emb_age.T, emb_gender.T, emb_occupation.T, emb_zip_area.T)
  user_vec = _tc_head(pairs, quarterf, at_g, gt_g, ot_g, zt_g,
                      fc_W, fc_b.reshape(1, OUT_DIM))
  return (user_vec, b)

# --- scband reference (transcript-rebuilt; emitter-appended) ---
"""Pipeline reference for scband-user-encoder-27092653703770 (READ-ONLY COPY).

The authoritative reference and input builder live on the scoring server;
editing this copy changes nothing except your own understanding.
"""

import jax, jax.numpy as jnp
import numpy as np

NUM_USERS = 1000000
NUM_AGES = 8
NUM_GENDERS = 3
NUM_OCCUPATIONS = 64
NUM_ZIP_AREAS = 1000
COMMON_DIM = 128
USER_DIM = 64
AGE_DIM = 16
GENDER_DIM = 16
OCC_DIM = 16
ZIP_DIM = 16
BATCH = 16384
FC_IN = USER_DIM + AGE_DIM + GENDER_DIM + OCC_DIM + ZIP_DIM


def setup_inputs(seed: int = 0) -> dict:
    key = jax.random.key(seed)
    ks = jax.random.split(key, 13)
    user_id = jax.random.randint(ks[0], (BATCH,), 0, NUM_USERS, dtype=jnp.int32)
    age = jax.random.randint(ks[1], (BATCH,), 0, NUM_AGES, dtype=jnp.int32)
    gender = jax.random.randint(ks[2], (BATCH,), 0, NUM_GENDERS, dtype=jnp.int32)
    occupation = jax.random.randint(ks[3], (BATCH,), 0, NUM_OCCUPATIONS, dtype=jnp.int32)
    zip_area = jax.random.randint(ks[4], (BATCH,), 0, NUM_ZIP_AREAS, dtype=jnp.int32)
    emb_users = jax.random.normal(ks[5], (NUM_USERS, USER_DIM), dtype=jnp.float32) * 0.02
    bias_user = jax.random.normal(ks[6], (NUM_USERS, 1), dtype=jnp.float32) * 0.02
    emb_age = jax.random.normal(ks[7], (NUM_AGES, AGE_DIM), dtype=jnp.float32) * 0.02
    emb_gender = jax.random.normal(ks[8], (NUM_GENDERS, GENDER_DIM), dtype=jnp.float32) * 0.02
    emb_occupation = jax.random.normal(ks[9], (NUM_OCCUPATIONS, OCC_DIM), dtype=jnp.float32) * 0.02
    emb_zip_area = jax.random.normal(ks[10], (NUM_ZIP_AREAS, ZIP_DIM), dtype=jnp.float32) * 0.02
    fc_W = jax.random.normal(ks[11], (COMMON_DIM, FC_IN), dtype=jnp.float32) * (1.0 / np.sqrt(FC_IN))
    fc_b = jax.random.normal(ks[12], (COMMON_DIM,), dtype=jnp.float32) * 0.01
    return {
        'user_id': user_id, 'age': age, 'gender': gender,
        'occupation': occupation, 'zip_area': zip_area,
        'emb_users': emb_users, 'bias_user': bias_user,
        'emb_age': emb_age, 'emb_gender': emb_gender,
        'emb_occupation': emb_occupation, 'emb_zip_area': emb_zip_area,
        'fc_W': fc_W, 'fc_b': fc_b,
    }


def reference(user_id, age, gender, occupation, zip_area,
              emb_users, bias_user, emb_age, emb_gender,
              emb_occupation, emb_zip_area, fc_W, fc_b):
    raw_user_vec = jnp.take(emb_users, user_id, axis=0)
    user_age = jnp.take(emb_age, age, axis=0)
    user_gender = jnp.take(emb_gender, gender, axis=0)
    user_occupation = jnp.take(emb_occupation, occupation, axis=0)
    user_zip = jnp.take(emb_zip_area, zip_area, axis=0)
    user_vec = jnp.concatenate([raw_user_vec, user_age, user_gender, user_occupation, user_zip], axis=1)
    # dropout is identity in eval mode (p applied only in training)
    user_vec = jax.nn.relu(user_vec)
    user_vec = user_vec @ fc_W.T + fc_b
    user_bias = jnp.take(bias_user, user_id, axis=0).reshape(-1)
    return (user_vec, user_bias)

if __name__ == "__main__":
    import jax
    _d = setup_inputs()
    print(jax.jit(kernel)(*tuple(_d.values())))

</pallas_src>

<mosaic_0001>
#map = affine_map<(d0, d1) -> (0)>
#map1 = affine_map<(d0, d1) -> (0, 0)>
module attributes {stable_mosaic.version = 14 : i64} {
  func.func @k(%arg0: i32, %arg1: i32, %arg2: memref<16384xi32, #tpu.memory_space<hbm>>, %arg3: memref<16384xi32, #tpu.memory_space<hbm>>, %arg4: memref<16384xi32, #tpu.memory_space<hbm>>, %arg5: memref<16384xi32, #tpu.memory_space<hbm>>, %arg6: memref<16384xi32, #tpu.memory_space<hbm>>, %arg7: memref<251904x128xf32, #tpu.memory_space<hbm>>, %arg8: memref<16x8xf32, #tpu.memory_space<hbm>>, %arg9: memref<16x3xf32, #tpu.memory_space<hbm>>, %arg10: memref<16x64xf32, #tpu.memory_space<hbm>>, %arg11: memref<16x1000xf32, #tpu.memory_space<hbm>>, %arg12: memref<16384x128xf32, #tpu.memory_space<hbm>>, %arg13: memref<16x16384xf32, #tpu.memory_space<hbm>>, %arg14: memref<16x16384xf32, #tpu.memory_space<hbm>>, %arg15: memref<16x16384xf32, #tpu.memory_space<hbm>>, %arg16: memref<16x16384xf32, #tpu.memory_space<hbm>>, %arg17: memref<512xi32, #tpu.memory_space<vmem>>, %arg18: memref<512xi32, #tpu.memory_space<vmem>>, %arg19: memref<512xi32, #tpu.memory_space<vmem>>, %arg20: memref<512xi32, #tpu.memory_space<vmem>>, %arg21: memref<512xi32, #tpu.memory_space<vmem>>, %arg22: memref<512x128xf32, #tpu.memory_space<vmem>>, %arg23: memref<16x512xf32, #tpu.memory_space<vmem>>, %arg24: memref<16x512xf32, #tpu.memory_space<vmem>>, %arg25: memref<16x512xf32, #tpu.memory_space<vmem>>, %arg26: memref<16x512xf32, #tpu.memory_space<vmem>>, %arg27: memref<16x8xf32, #tpu.memory_space<vmem>>, %arg28: memref<16x3xf32, #tpu.memory_space<vmem>>, %arg29: memref<16x64xf32, #tpu.memory_space<vmem>>, %arg30: memref<16x1000xf32, #tpu.memory_space<vmem>>, %arg31: memref<!tpu.dma_semaphore, #tpu.memory_space<semaphore_mem>>) attributes {dimension_semantics = [#tpu.dimension_semantics<core_parallel>, #tpu.dimension_semantics<subcore_parallel>], iteration_bounds = array<i64: 2, 16>, scalar_prefetch = 0 : i64, scratch_operands = 15 : i64, tpu.core_type = #tpu.core_type<sc_vector_subcore>, window_params = [{transform_indices = #map}, {transform_indices = #map}, {transform_indices = #map}, {transform_indices = #map}, {transform_indices = #map}, {transform_indices = #map1}, {transform_indices = #map1}, {transform_indices = #map1}, {transform_indices = #map1}, {transform_indices = #map1}, {transform_indices = #map1}, {transform_indices = #map1}, {transform_indices = #map1}, {transform_indices = #map1}, {transform_indices = #map1}]} {
    %mul3A = arith.constant 2 : i32
    %mul3A_0 = arith.muli %arg1, %mul3A : i32
    %add3A = arith.addi %mul3A_0, %arg0 : i32
    %mul3A_1 = arith.constant 512 : i32
    %mul3A_2 = arith.muli %add3A, %mul3A_1 : i32
    "tpu.region"() ({
      %run_scoped3A = tpu.sem_alloc : memref<!tpu.dma_semaphore, #tpu.memory_space<semaphore_mem>>
      %dma_start3A_12 = tpu.memref_slice %arg2[%mul3A_2] : memref<16384xi32, #tpu.memory_space<hbm>> -> memref<512xi32, #tpu.memory_space<hbm>>
      %dma_start3A_13 = tpu.memref_slice %arg2[%mul3A_2] : memref<16384xi32, #tpu.memory_space<hbm>> -> memref<512xi32, #tpu.memory_space<hbm>>
      tpu.enqueue_dma source(%dma_start3A_13 : memref<512xi32, #tpu.memory_space<hbm>>) target(%arg17 : memref<512xi32, #tpu.memory_space<vmem>>) target_semaphore(%run_scoped3A : memref<!tpu.dma_semaphore, #tpu.memory_space<semaphore_mem>>)
      %dma_wait3A_14 = tpu.memref_slice %arg2[%mul3A_2] : memref<16384xi32, #tpu.memory_space<hbm>> -> memref<512xi32, #tpu.memory_space<hbm>>
      %dma_wait3A_15 = tpu.memref_slice %arg2[%mul3A_2] : memref<16384xi32, #tpu.memory_space<hbm>> -> memref<512xi32, #tpu.memory_space<hbm>>
      tpu.wait_dma2 semaphore(%run_scoped3A : memref<!tpu.dma_semaphore, #tpu.memory_space<semaphore_mem>>) src(%dma_wait3A_15 : memref<512xi32, #tpu.memory_space<hbm>>) dst(%arg17 : memref<512xi32, #tpu.memory_space<vmem>>)
      tpu.yield
    }) : () -> ()
    "tpu.region"() ({
      %run_scoped3A = tpu.sem_alloc : memref<!tpu.dma_semaphore, #tpu.memory_space<semaphore_mem>>
      %dma_start3A_12 = tpu.memref_slice %arg3[%mul3A_2] : memref<16384xi32, #tpu.memory_space<hbm>> -> memref<512xi32, #tpu.memory_space<hbm>>
      %dma_start3A_13 = tpu.memref_slice %arg3[%mul3A_2] : memref<16384xi32, #tpu.memory_space<hbm>> -> memref<512xi32, #tpu.memory_space<hbm>>
      tpu.enqueue_dma source(%dma_start3A_13 : memref<512xi32, #tpu.memory_space<hbm>>) target(%arg18 : memref<512xi32, #tpu.memory_space<vmem>>) target_semaphore(%run_scoped3A : memref<!tpu.dma_semaphore, #tpu.memory_space<semaphore_mem>>)
      %dma_wait3A_14 = tpu.memref_slice %arg3[%mul3A_2] : memref<16384xi32, #tpu.memory_space<hbm>> -> memref<512xi32, #tpu.memory_space<hbm>>
      %dma_wait3A_15 = tpu.memref_slice %arg3[%mul3A_2] : memref<16384xi32, #tpu.memory_space<hbm>> -> memref<512xi32, #tpu.memory_space<hbm>>
      tpu.wait_dma2 semaphore(%run_scoped3A : memref<!tpu.dma_semaphore, #tpu.memory_space<semaphore_mem>>) src(%dma_wait3A_15 : memref<512xi32, #tpu.memory_space<hbm>>) dst(%arg18 : memref<512xi32, #tpu.memory_space<vmem>>)
      tpu.yield
    }) : () -> ()
    "tpu.region"() ({
      %run_scoped3A = tpu.sem_alloc : memref<!tpu.dma_semaphore, #tpu.memory_space<semaphore_mem>>
      %dma_start3A_12 = tpu.memref_slice %arg4[%mul3A_2] : memref<16384xi32, #tpu.memory_space<hbm>> -> memref<512xi32, #tpu.memory_space<hbm>>
      %dma_start3A_13 = tpu.memref_slice %arg4[%mul3A_2] : memref<16384xi32, #tpu.memory_space<hbm>> -> memref<512xi32, #tpu.memory_space<hbm>>
      tpu.enqueue_dma source(%dma_start3A_13 : memref<512xi32, #tpu.memory_space<hbm>>) target(%arg19 : memref<512xi32, #tpu.memory_space<vmem>>) target_semaphore(%run_scoped3A : memref<!tpu.dma_semaphore, #tpu.memory_space<semaphore_mem>>)
      %dma_wait3A_14 = tpu.memref_slice %arg4[%mul3A_2] : memref<16384xi32, #tpu.memory_space<hbm>> -> memref<512xi32, #tpu.memory_space<hbm>>
      %dma_wait3A_15 = tpu.memref_slice %arg4[%mul3A_2] : memref<16384xi32, #tpu.memory_space<hbm>> -> memref<512xi32, #tpu.memory_space<hbm>>
      tpu.wait_dma2 semaphore(%run_scoped3A : memref<!tpu.dma_semaphore, #tpu.memory_space<semaphore_mem>>) src(%dma_wait3A_15 : memref<512xi32, #tpu.memory_space<hbm>>) dst(%arg19 : memref<512xi32, #tpu.memory_space<vmem>>)
      tpu.yield
    }) : () -> ()
    "tpu.region"() ({
      %run_scoped3A = tpu.sem_alloc : memref<!tpu.dma_semaphore, #tpu.memory_space<semaphore_mem>>
      %dma_start3A_12 = tpu.memref_slice %arg5[%mul3A_2] : memref<16384xi32, #tpu.memory_space<hbm>> -> memref<512xi32, #tpu.memory_space<hbm>>
      %dma_start3A_13 = tpu.memref_slice %arg5[%mul3A_2] : memref<16384xi32, #tpu.memory_space<hbm>> -> memref<512xi32, #tpu.memory_space<hbm>>
      tpu.enqueue_dma source(%dma_start3A_13 : memref<512xi32, #tpu.memory_space<hbm>>) target(%arg20 : memref<512xi32, #tpu.memory_space<vmem>>) target_semaphore(%run_scoped3A : memref<!tpu.dma_semaphore, #tpu.memory_space<semaphore_mem>>)
      %dma_wait3A_14 = tpu.memref_slice %arg5[%mul3A_2] : memref<16384xi32, #tpu.memory_space<hbm>> -> memref<512xi32, #tpu.memory_space<hbm>>
      %dma_wait3A_15 = tpu.memref_slice %arg5[%mul3A_2] : memref<16384xi32, #tpu.memory_space<hbm>> -> memref<512xi32, #tpu.memory_space<hbm>>
      tpu.wait_dma2 semaphore(%run_scoped3A : memref<!tpu.dma_semaphore, #tpu.memory_space<semaphore_mem>>) src(%dma_wait3A_15 : memref<512xi32, #tpu.memory_space<hbm>>) dst(%arg20 : memref<512xi32, #tpu.memory_space<vmem>>)
      tpu.yield
    }) : () -> ()
    "tpu.region"() ({
      %run_scoped3A = tpu.sem_alloc : memref<!tpu.dma_semaphore, #tpu.memory_space<semaphore_mem>>
      %dma_start3A_12 = tpu.memref_slice %arg6[%mul3A_2] : memref<16384xi32, #tpu.memory_space<hbm>> -> memref<512xi32, #tpu.memory_space<hbm>>
      %dma_start3A_13 = tpu.memref_slice %arg6[%mul3A_2] : memref<16384xi32, #tpu.memory_space<hbm>> -> memref<512xi32, #tpu.memory_space<hbm>>
      tpu.enqueue_dma source(%dma_start3A_13 : memref<512xi32, #tpu.memory_space<hbm>>) target(%arg21 : memref<512xi32, #tpu.memory_space<vmem>>) target_semaphore(%run_scoped3A : memref<!tpu.dma_semaphore, #tpu.memory_space<semaphore_mem>>)
      %dma_wait3A_14 = tpu.memref_slice %arg6[%mul3A_2] : memref<16384xi32, #tpu.memory_space<hbm>> -> memref<512xi32, #tpu.memory_space<hbm>>
      %dma_wait3A_15 = tpu.memref_slice %arg6[%mul3A_2] : memref<16384xi32, #tpu.memory_space<hbm>> -> memref<512xi32, #tpu.memory_space<hbm>>
      tpu.wait_dma2 semaphore(%run_scoped3A : memref<!tpu.dma_semaphore, #tpu.memory_space<semaphore_mem>>) src(%dma_wait3A_15 : memref<512xi32, #tpu.memory_space<hbm>>) dst(%arg21 : memref<512xi32, #tpu.memory_space<vmem>>)
      tpu.yield
    }) : () -> ()
    "tpu.region"() ({
      %run_scoped3A = tpu.sem_alloc : memref<!tpu.dma_semaphore, #tpu.memory_space<semaphore_mem>>
      tpu.enqueue_dma source(%arg8 : memref<16x8xf32, #tpu.memory_space<hbm>>) target(%arg27 : memref<16x8xf32, #tpu.memory_space<vmem>>) target_semaphore(%run_scoped3A : memref<!tpu.dma_semaphore, #tpu.memory_space<semaphore_mem>>)
      tpu.wait_dma2 semaphore(%run_scoped3A : memref<!tpu.dma_semaphore, #tpu.memory_space<semaphore_mem>>) src(%arg8 : memref<16x8xf32, #tpu.memory_space<hbm>>) dst(%arg27 : memref<16x8xf32, #tpu.memory_space<vmem>>)
      tpu.yield
    }) : () -> ()
    "tpu.region"() ({
      %run_scoped3A = tpu.sem_alloc : memref<!tpu.dma_semaphore, #tpu.memory_space<semaphore_mem>>
      tpu.enqueue_dma source(%arg9 : memref<16x3xf32, #tpu.memory_space<hbm>>) target(%arg28 : memref<16x3xf32, #tpu.memory_space<vmem>>) target_semaphore(%run_scoped3A : memref<!tpu.dma_semaphore, #tpu.memory_space<semaphore_mem>>)
      tpu.wait_dma2 semaphore(%run_scoped3A : memref<!tpu.dma_semaphore, #tpu.memory_space<semaphore_mem>>) src(%arg9 : memref<16x3xf32, #tpu.memory_space<hbm>>) dst(%arg28 : memref<16x3xf32, #tpu.memory_space<vmem>>)
      tpu.yield
    }) : () -> ()
    "tpu.region"() ({
      %run_scoped3A = tpu.sem_alloc : memref<!tpu.dma_semaphore, #tpu.memory_space<semaphore_mem>>
      tpu.enqueue_dma source(%arg10 : memref<16x64xf32, #tpu.memory_space<hbm>>) target(%arg29 : memref<16x64xf32, #tpu.memory_space<vmem>>) target_semaphore(%run_scoped3A : memref<!tpu.dma_semaphore, #tpu.memory_space<semaphore_mem>>)
      tpu.wait_dma2 semaphore(%run_scoped3A : memref<!tpu.dma_semaphore, #tpu.memory_space<semaphore_mem>>) src(%arg10 : memref<16x64xf32, #tpu.memory_space<hbm>>) dst(%arg29 : memref<16x64xf32, #tpu.memory_space<vmem>>)
      tpu.yield
    }) : () -> ()
    "tpu.region"() ({
      %run_scoped3A = tpu.sem_alloc : memref<!tpu.dma_semaphore, #tpu.memory_space<semaphore_mem>>
      tpu.enqueue_dma source(%arg11 : memref<16x1000xf32, #tpu.memory_space<hbm>>) target(%arg30 : memref<16x1000xf32, #tpu.memory_space<vmem>>) target_semaphore(%run_scoped3A : memref<!tpu.dma_semaphore, #tpu.memory_space<semaphore_mem>>)
      tpu.wait_dma2 semaphore(%run_scoped3A : memref<!tpu.dma_semaphore, #tpu.memory_space<semaphore_mem>>) src(%arg11 : memref<16x1000xf32, #tpu.memory_space<hbm>>) dst(%arg30 : memref<16x1000xf32, #tpu.memory_space<vmem>>)
      tpu.yield
    }) : () -> ()
    %dma_start3A = arith.constant 0 : i32
    %dma_start3A_3 = arith.constant 0 : i32
    %dma_start3A_4 = tpu.memref_slice %arg7[%dma_start3A, %dma_start3A_3] : memref<251904x128xf32, #tpu.memory_space<hbm>> -> memref<251904x128xf32, #tpu.memory_space<hbm>>
    tpu.enqueue_indirect_dma source(%dma_start3A_4 : memref<251904x128xf32, #tpu.memory_space<hbm>>) target(%arg22 : memref<512x128xf32, #tpu.memory_space<vmem>>) offsets(%arg17 : memref<512xi32, #tpu.memory_space<vmem>>) semaphore(%arg31 : memref<!tpu.dma_semaphore, #tpu.memory_space<semaphore_mem>>)
    %scan3A = arith.constant 0 : i32
    %scan3A_5 = arith.constant 0 : i32
    %scan3A_6 = arith.constant 32 : i32
    %scan3A_7 = arith.addi %scan3A_5, %scan3A_6 : i32
    %scan3A_8 = arith.constant 1 : i32
    scf.for %scan3A_12 = %scan3A_5 to %scan3A_7 step %scan3A_8  : i32 {
      %mul3A_13 = arith.constant 16 : i32
      %mul3A_14 = arith.muli %scan3A_12, %mul3A_13 : i32
      %get3A = arith.index_cast %mul3A_14 : i32 to index
      %get3A_15 = tpu.vector_load %arg18[%get3A] {strides = array<i32>} : memref<512xi32, #tpu.memory_space<vmem>>, vector<16xi32>,
      %get3A_16 = arith.index_cast %mul3A_14 : i32 to index
      %get3A_17 = tpu.vector_load %arg19[%get3A_16] {strides = array<i32>} : memref<512xi32, #tpu.memory_space<vmem>>, vector<16xi32>,
      %get3A_18 = arith.index_cast %mul3A_14 : i32 to index
      %get3A_19 = tpu.vector_load %arg20[%get3A_18] {strides = array<i32>} : memref<512xi32, #tpu.memory_space<vmem>>, vector<16xi32>,
      %get3A_20 = arith.index_cast %mul3A_14 : i32 to index
      %get3A_21 = tpu.vector_load %arg21[%get3A_20] {strides = array<i32>} : memref<512xi32, #tpu.memory_space<vmem>>, vector<16xi32>,
      %broadcast_in_dim3A = arith.constant 0 : i32
      %broadcast_in_dim3A_22 = vector.broadcast %broadcast_in_dim3A : i32 to vector<16xi32>
      %gather3A = tpu.vector_load_idx %arg27[%broadcast_in_dim3A_22, %get3A_15] : memref<16x8xf32, #tpu.memory_space<vmem>>[vector<16xi32>, vector<16xi32>], vector<16xf32>,
      %swap3A = arith.constant 0 : i32
      %swap3A_23 = arith.index_cast %swap3A : i32 to index
      %swap3A_24 = arith.index_cast %mul3A_14 : i32 to index
      %swap3A_25 = tpu.vector_load %arg23[%swap3A_23, %swap3A_24] {strides = array<i32>} : memref<16x512xf32, #tpu.memory_space<vmem>>, vector<16xf32>,
      tpu.vector_store %arg23[%swap3A_23, %swap3A_24], %gather3A {strides = array<i32>} : memref<16x512xf32, #tpu.memory_space<vmem>>, vector<16xf32>,
      %gather3A_26 = tpu.vector_load_idx %arg28[%broadcast_in_dim3A_22, %get3A_17] : memref<16x3xf32, #tpu.memory_space<vmem>>[vector<16xi32>, vector<16xi32>], vector<16xf32>,
      %swap3A_27 = arith.constant 0 : i32
      %swap3A_28 = arith.index_cast %swap3A_27 : i32 to index
      %swap3A_29 = arith.index_cast %mul3A_14 : i32 to index
      %swap3A_30 = tpu.vector_load %arg24[%swap3A_28, %swap3A_29] {strides = array<i32>} : memref<16x512xf32, #tpu.memory_space<vmem>>, vector<16xf32>,
      tpu.vector_store %arg24[%swap3A_28, %swap3A_29], %gather3A_26 {strides = array<i32>} : memref<16x512xf32, #tpu.memory_space<vmem>>, vector<16xf32>,
      %gather3A_31 = tpu.vector_load_idx %arg29[%broadcast_in_dim3A_22, %get3A_19] : memref<16x64xf32, #tpu.memory_space<vmem>>[vector<16xi32>, vector<16xi32>], vector<16xf32>,
      %swap3A_32 = arith.constant 0 : i32
      %swap3A_33 = arith.index_cast %swap3A_32 : i32 to index
      %swap3A_34 = arith.index_cast %mul3A_14 : i32 to index
      %swap3A_35 = tpu.vector_load %arg25[%swap3A_33, %swap3A_34] {strides = array<i32>} : memref<16x512xf32, #tpu.memory_space<vmem>>, vector<16xf32>,
      tpu.vector_store %arg25[%swap3A_33, %swap3A_34], %gather3A_31 {strides = array<i32>} : memref<16x512xf32, #tpu.memory_space<vmem>>, vector<16xf32>,
      %gather3A_36 = tpu.vector_load_idx %arg30[%broadcast_in_dim3A_22, %get3A_21] : memref<16x1000xf32, #tpu.memory_space<vmem>>[vector<16xi32>, vector<16xi32>], vector<16xf32>,
      %swap3A_37 = arith.constant 0 : i32
      %swap3A_38 = arith.index_cast %swap3A_37 : i32 to index
      %swap3A_39 = arith.index_cast %mul3A_14 : i32 to index
      %swap3A_40 = tpu.vector_load %arg26[%swap3A_38, %swap3A_39] {strides = array<i32>} : memref<16x512xf32, #tpu.memory_space<vmem>>, vector<16xf32>,
      tpu.vector_store %arg26[%swap3A_38, %swap3A_39], %gather3A_36 {strides = array<i32>} : memref<16x512xf32, #tpu.memory_space<vmem>>, vector<16xf32>,
      %broadcast_in_dim3A_41 = arith.constant 1 : i32
      %broadcast_in_dim3A_42 = vector.broadcast %broadcast_in_dim3A_41 : i32 to vector<16xi32>
      %gather3A_43 = tpu.vector_load_idx %arg27[%broadcast_in_dim3A_42, %get3A_15] : memref<16x8xf32, #tpu.memory_space<vmem>>[vector<16xi32>, vector<16xi32>], vector<16xf32>,
      %swap3A_44 = arith.constant 1 : i32
      %swap3A_45 = arith.index_cast %swap3A_44 : i32 to index
      %swap3A_46 = arith.index_cast %mul3A_14 : i32 to index
      %swap3A_47 = tpu.vector_load %arg23[%swap3A_45, %swap3A_46] {strides = array<i32>} : memref<16x512xf32, #tpu.memory_space<vmem>>, vector<16xf32>,
      tpu.vector_store %arg23[%swap3A_45, %swap3A_46], %gather3A_43 {strides = array<i32>} : memref<16x512xf32, #tpu.memory_space<vmem>>, vector<16xf32>,
      %gather3A_48 = tpu.vector_load_idx %arg28[%broadcast_in_dim3A_42, %get3A_17] : memref<16x3xf32, #tpu.memory_space<vmem>>[vector<16xi32>, vector<16xi32>], vector<16xf32>,
      %swap3A_49 = arith.constant 1 : i32
      %swap3A_50 = arith.index_cast %swap3A_49 : i32 to index
      %swap3A_51 = arith.index_cast %mul3A_14 : i32 to index
      %swap3A_52 = tpu.vector_load %arg24[%swap3A_50, %swap3A_51] {strides = array<i32>} : memref<16x512xf32, #tpu.memory_space<vmem>>, vector<16xf32>,
      tpu.vector_store %arg24[%swap3A_50, %swap3A_51], %gather3A_48 {strides = array<i32>} : memref<16x512xf32, #tpu.memory_space<vmem>>, vector<16xf32>,
      %gather3A_53 = tpu.vector_load_idx %arg29[%broadcast_in_dim3A_42, %get3A_19] : memref<16x64xf32, #tpu.memory_space<vmem>>[vector<16xi32>, vector<16xi32>], vector<16xf32>,
      %swap3A_54 = arith.constant 1 : i32
      %swap3A_55 = arith.index_cast %swap3A_54 : i32 to index
      %swap3A_56 = arith.index_cast %mul3A_14 : i32 to index
      %swap3A_57 = tpu.vector_load %arg25[%swap3A_55, %swap3A_56] {strides = array<i32>} : memref<16x512xf32, #tpu.memory_space<vmem>>, vector<16xf32>,
      tpu.vector_store %arg25[%swap3A_55, %swap3A_56], %gather3A_53 {strides = array<i32>} : memref<16x512xf32, #tpu.memory_space<vmem>>, vector<16xf32>,
      %gather3A_58 = tpu.vector_load_idx %arg30[%broadcast_in_dim3A_42, %get3A_21] : memref<16x1000xf32, #tpu.memory_space<vmem>>[vector<16xi32>, vector<16xi32>], vector<16xf32>,
      %swap3A_59 = arith.constant 1 : i32
      %swap3A_60 = arith.index_cast %swap3A_59 : i32 to index
      %swap3A_61 = arith.index_cast %mul3A_14 : i32 to index
      %swap3A_62 = tpu.vector_load %arg26[%swap3A_60, %swap3A_61] {strides = array<i32>} : memref<16x512xf32, #tpu.memory_space<vmem>>, vector<16xf32>,
      tpu.vector_store %arg26[%swap3A_60, %swap3A_61], %gather3A_58 {strides = array<i32>} : memref<16x512xf32, #tpu.memory_space<vmem>>, vector<16xf32>,
      %broadcast_in_dim3A_63 = arith.constant 2 : i32
      %broadcast_in_dim3A_64 = vector.broadcast %broadcast_in_dim3A_63 : i32 to vector<16xi32>
      %gather3A_65 = tpu.vector_load_idx %arg27[%broadcast_in_dim3A_64, %get3A_15] : memref<16x8xf32, #tpu.memory_space<vmem>>[vector<16xi32>, vector<16xi32>], vector<16xf32>,
      %swap3A_66 = arith.constant 2 : i32
      %swap3A_67 = arith.index_cast %swap3A_66 : i32 to index
      %swap3A_68 = arith.index_cast %mul3A_14 : i32 to index
      %swap3A_69 = tpu.vector_load %arg23[%swap3A_67, %swap3A_68] {strides = array<i32>} : memref<16x512xf32, #tpu.memory_space<vmem>>, vector<16xf32>,
      tpu.vector_store %arg23[%swap3A_67, %swap3A_68], %gather3A_65 {strides = array<i32>} : memref<16x512xf32, #tpu.memory_space<vmem>>, vector<16xf32>,
      %gather3A_70 = tpu.vector_load_idx %arg28[%broadcast_in_dim3A_64, %get3A_17] : memref<16x3xf32, #tpu.memory_space<vmem>>[vector<16xi32>, vector<16xi32>], vector<16xf32>,
      %swap3A_71 = arith.constant 2 : i32
      %swap3A_72 = arith.index_cast %swap3A_71 : i32 to index
      %swap3A_73 = arith.index_cast %mul3A_14 : i32 to index
      %swap3A_74 = tpu.vector_load %arg24[%swap3A_72, %swap3A_73] {strides = array<i32>} : memref<16x512xf32, #tpu.memory_space<vmem>>, vector<16xf32>,
      tpu.vector_store %arg24[%swap3A_72, %swap3A_73], %gather3A_70 {strides = array<i32>} : memref<16x512xf32, #tpu.memory_space<vmem>>, vector<16xf32>,
      %gather3A_75 = tpu.vector_load_idx %arg29[%broadcast_in_dim3A_64, %get3A_19] : memref<16x64xf32, #tpu.memory_space<vmem>>[vector<16xi32>, vector<16xi32>], vector<16xf32>,
      %swap3A_76 = arith.constant 2 : i32
      %swap3A_77 = arith.index_cast %swap3A_76 : i32 to index
      %swap3A_78 = arith.index_cast %mul3A_14 : i32 to index
      %swap3A_79 = tpu.vector_load %arg25[%swap3A_77, %swap3A_78] {strides = array<i32>} : memref<16x512xf32, #tpu.memory_space<vmem>>, vector<16xf32>,
      tpu.vector_store %arg25[%swap3A_77, %swap3A_78], %gather3A_75 {strides = array<i32>} : memref<16x512xf32, #tpu.memory_space<vmem>>, vector<16xf32>,
      %gather3A_80 = tpu.vector_load_idx %arg30[%broadcast_in_dim3A_64, %get3A_21] : memref<16x1000xf32, #tpu.memory_space<vmem>>[vector<16xi32>, vector<16xi32>], vector<16xf32>,
      %swap3A_81 = arith.constant 2 : i32
      %swap3A_82 = arith.index_cast %swap3A_81 : i32 to index
      %swap3A_83 = arith.index_cast %mul3A_14 : i32 to index
      %swap3A_84 = tpu.vector_load %arg26[%swap3A_82, %swap3A_83] {strides = array<i32>} : memref<16x512xf32, #tpu.memory_space<vmem>>, vector<16xf32>,
      tpu.vector_store %arg26[%swap3A_82, %swap3A_83], %gather3A_80 {strides = array<i32>} : memref<16x512xf32, #tpu.memory_space<vmem>>, vector<16xf32>,
      %broadcast_in_dim3A_85 = arith.constant 3 : i32
      %broadcast_in_dim3A_86 = vector.broadcast %broadcast_in_dim3A_85 : i32 to vector<16xi32>
      %gather3A_87 = tpu.vector_load_idx %arg27[%broadcast_in_dim3A_86, %get3A_15] : memref<16x8xf32, #tpu.memory_space<vmem>>[vector<16xi32>, vector<16xi32>], vector<16xf32>,
      %swap3A_88 = arith.constant 3 : i32
      %swap3A_89 = arith.index_cast %swap3A_88 : i32 to index
      %swap3A_90 = arith.index_cast %mul3A_14 : i32 to index
      %swap3A_91 = tpu.vector_load %arg23[%swap3A_89, %swap3A_90] {strides = array<i32>} : memref<16x512xf32, #tpu.memory_space<vmem>>, vector<16xf32>,
      tpu.vector_store %arg23[%swap3A_89, %swap3A_90], %gather3A_87 {strides = array<i32>} : memref<16x512xf32, #tpu.memory_space<vmem>>, vector<16xf32>,
      %gather3A_92 = tpu.vector_load_idx %arg28[%broadcast_in_dim3A_86, %get3A_17] : memref<16x3xf32, #tpu.memory_space<vmem>>[vector<16xi32>, vector<16xi32>], vector<16xf32>,
      %swap3A_93 = arith.constant 3 : i32
      %swap3A_94 = arith.index_cast %swap3A_93 : i32 to index
      %swap3A_95 = arith.index_cast %mul3A_14 : i32 to index
      %swap3A_96 = tpu.vector_load %arg24[%swap3A_94, %swap3A_95] {strides = array<i32>} : memref<16x512xf32, #tpu.memory_space<vmem>>, vector<16xf32>,
      tpu.vector_store %arg24[%swap3A_94, %swap3A_95], %gather3A_92 {strides = array<i32>} : memref<16x512xf32, #tpu.memory_space<vmem>>, vector<16xf32>,
      %gather3A_97 = tpu.vector_load_idx %arg29[%broadcast_in_dim3A_86, %get3A_19] : memref<16x64xf32, #tpu.memory_space<vmem>>[vector<16xi32>, vector<16xi32>], vector<16xf32>,
      %swap3A_98 = arith.constant 3 : i32
      %swap3A_99 = arith.index_cast %swap3A_98 : i32 to index
      %swap3A_100 = arith.index_cast %mul3A_14 : i32 to index
      %swap3A_101 = tpu.vector_load %arg25[%swap3A_99, %swap3A_100] {strides = array<i32>} : memref<16x512xf32, #tpu.memory_space<vmem>>, vector<16xf32>,
      tpu.vector_store %arg25[%swap3A_99, %swap3A_100], %gather3A_97 {strides = array<i32>} : memref<16x512xf32, #tpu.memory_space<vmem>>, vector<16xf32>,
      %gather3A_102 = tpu.vector_load_idx %arg30[%broadcast_in_dim3A_86, %get3A_21] : memref<16x1000xf32, #tpu.memory_space<vmem>>[vector<16xi32>, vector<16xi32>], vector<16xf32>,
      %swap3A_103 = arith.constant 3 : i32
      %swap3A_104 = arith.index_cast %swap3A_103 : i32 to index
      %swap3A_105 = arith.index_cast %mul3A_14 : i32 to index
      %swap3A_106 = tpu.vector_load %arg26[%swap3A_104, %swap3A_105] {strides = array<i32>} : memref<16x512xf32, #tpu.memory_space<vmem>>, vector<16xf32>,
      tpu.vector_store %arg26[%swap3A_104, %swap3A_105], %gather3A_102 {strides = array<i32>} : memref<16x512xf32, #tpu.memory_space<vmem>>, vector<16xf32>,
      %broadcast_in_dim3A_107 = arith.constant 4 : i32
      %broadcast_in_dim3A_108 = vector.broadcast %broadcast_in_dim3A_107 : i32 to vector<16xi32>
      %gather3A_109 = tpu.vector_load_idx %arg27[%broadcast_in_dim3A_108, %get3A_15] : memref<16x8xf32, #tpu.memory_space<vmem>>[vector<16xi32>, vector<16xi32>], vector<16xf32>,
      %swap3A_110 = arith.constant 4 : i32
      %swap3A_111 = arith.index_cast %swap3A_110 : i32 to index
      %swap3A_112 = arith.index_cast %mul3A_14 : i32 to index
      %swap3A_113 = tpu.vector_load %arg23[%swap3A_111, %swap3A_112] {strides = array<i32>} : memref<16x512xf32, #tpu.memory_space<vmem>>, vector<16xf32>,
      tpu.vector_store %arg23[%swap3A_111, %swap3A_112], %gather3A_109 {strides = array<i32>} : memref<16x512xf32, #tpu.memory_space<vmem>>, vector<16xf32>,
      %gather3A_114 = tpu.vector_load_idx %arg28[%broadcast_in_dim3A_108, %get3A_17] : memref<16x3xf32, #tpu.memory_space<vmem>>[vector<16xi32>, vector<16xi32>], vector<16xf32>,
      %swap3A_115 = arith.constant 4 : i32
      %swap3A_116 = arith.index_cast %swap3A_115 : i32 to index
      %swap3A_117 = arith.index_cast %mul3A_14 : i32 to index
      %swap3A_118 = tpu.vector_load %arg24[%swap3A_116, %swap3A_117] {strides = array<i32>} : memref<16x512xf32, #tpu.memory_space<vmem>>, vector<16xf32>,
      tpu.vector_store %arg24[%swap3A_116, %swap3A_117], %gather3A_114 {strides = array<i32>} : memref<16x512xf32, #tpu.memory_space<vmem>>, vector<16xf32>,
      %gather3A_119 = tpu.vector_load_idx %arg29[%broadcast_in_dim3A_108, %get3A_19] : memref<16x64xf32, #tpu.memory_space<vmem>>[vector<16xi32>, vector<16xi32>], vector<16xf32>,
      %swap3A_120 = arith.constant 4 : i32
      %swap3A_121 = arith.index_cast %swap3A_120 : i32 to index
      %swap3A_122 = arith.index_cast %mul3A_14 : i32 to index
      %swap3A_123 = tpu.vector_load %arg25[%swap3A_121, %swap3A_122] {strides = array<i32>} : memref<16x512xf32, #tpu.memory_space<vmem>>, vector<16xf32>,
      tpu.vector_store %arg25[%swap3A_121, %swap3A_122], %gather3A_119 {strides = array<i32>} : memref<16x512xf32, #tpu.memory_space<vmem>>, vector<16xf32>,
      %gather3A_124 = tpu.vector_load_idx %arg30[%broadcast_in_dim3A_108, %get3A_21] : memref<16x1000xf32, #tpu.memory_space<vmem>>[vector<16xi32>, vector<16xi32>], vector<16xf32>,
      %swap3A_125 = arith.constant 4 : i32
      %swap3A_126 = arith.index_cast %swap3A_125 : i32 to index
      %swap3A_127 = arith.index_cast %mul3A_14 : i32 to index
      %swap3A_128 = tpu.vector_load %arg26[%swap3A_126, %swap3A_127] {strides = array<i32>} : memref<16x512xf32, #tpu.memory_space<vmem>>, vector<16xf32>,
      tpu.vector_store %arg26[%swap3A_126, %swap3A_127], %gather3A_124 {strides = array<i32>} : memref<16x512xf32, #tpu.memory_space<vmem>>, vector<16xf32>,
      %broadcast_in_dim3A_129 = arith.constant 5 : i32
      %broadcast_in_dim3A_130 = vector.broadcast %broadcast_in_dim3A_129 : i32 to vector<16xi32>
      %gather3A_131 = tpu.vector_load_idx %arg27[%broadcast_in_dim3A_130, %get3A_15] : memref<16x8xf32, #tpu.memory_space<vmem>>[vector<16xi32>, vector<16xi32>], vector<16xf32>,
      %swap3A_132 = arith.constant 5 : i32
      %swap3A_133 = arith.index_cast %swap3A_132 : i32 to index
      %swap3A_134 = arith.index_cast %mul3A_14 : i32 to index
      %swap3A_135 = tpu.vector_load %arg23[%swap3A_133, %swap3A_134] {strides = array<i32>} : memref<16x512xf32, #tpu.memory_space<vmem>>, vector<16xf32>,
      tpu.vector_store %arg23[%swap3A_133, %swap3A_134], %gather3A_131 {strides = array<i32>} : memref<16x512xf32, #tpu.memory_space<vmem>>, vector<16xf32>,
      %gather3A_136 = tpu.vector_load_idx %arg28[%broadcast_in_dim3A_130, %get3A_17] : memref<16x3xf32, #tpu.memory_space<vmem>>[vector<16xi32>, vector<16xi32>], vector<16xf32>,
      %swap3A_137 = arith.constant 5 : i32
      %swap3A_138 = arith.index_cast %swap3A_137 : i32 to index
      %swap3A_139 = arith.index_cast %mul3A_14 : i32 to index
      %swap3A_140 = tpu.vector_load %arg24[%swap3A_138, %swap3A_139] {strides = array<i32>} : memref<16x512xf32, #tpu.memory_space<vmem>>, vector<16xf32>,
      tpu.vector_store %arg24[%swap3A_138, %swap3A_139], %gather3A_136 {strides = array<i32>} : memref<16x512xf32, #tpu.memory_space<vmem>>, vector<16xf32>,
      %gather3A_141 = tpu.vector_load_idx %arg29[%broadcast_in_dim3A_130, %get3A_19] : memref<16x64xf32, #tpu.memory_space<vmem>>[vector<16xi32>, vector<16xi32>], vector<16xf32>,
      %swap3A_142 = arith.constant 5 : i32
      %swap3A_143 = arith.index_cast %swap3A_142 : i32 to index
      %swap3A_144 = arith.index_cast %mul3A_14 : i32 to index
      %swap3A_145 = tpu.vector_load %arg25[%swap3A_143, %swap3A_144] {strides = array<i32>} : memref<16x512xf32, #tpu.memory_space<vmem>>, vector<16xf32>,
      tpu.vector_store %arg25[%swap3A_143, %swap3A_144], %gather3A_141 {strides = array<i32>} : memref<16x512xf32, #tpu.memory_space<vmem>>, vector<16xf32>,
      %gather3A_146 = tpu.vector_load_idx %arg30[%broadcast_in_dim3A_130, %get3A_21] : memref<16x1000xf32, #tpu.memory_space<vmem>>[vector<16xi32>, vector<16xi32>], vector<16xf32>,
      %swap3A_147 = arith.constant 5 : i32
      %swap3A_148 = arith.index_cast %swap3A_147 : i32 to index
      %swap3A_149 = arith.index_cast %mul3A_14 : i32 to index
      %swap3A_150 = tpu.vector_load %arg26[%swap3A_148, %swap3A_149] {strides = array<i32>} : memref<16x512xf32, #tpu.memory_space<vmem>>, vector<16xf32>,
      tpu.vector_store %arg26[%swap3A_148, %swap3A_149], %gather3A_146 {strides = array<i32>} : memref<16x512xf32, #tpu.memory_space<vmem>>, vector<16xf32>,
      %broadcast_in_dim3A_151 = arith.constant 6 : i32
      %broadcast_in_dim3A_152 = vector.broadcast %broadcast_in_dim3A_151 : i32 to vector<16xi32>
      %gather3A_153 = tpu.vector_load_idx %arg27[%broadcast_in_dim3A_152, %get3A_15] : memref<16x8xf32, #tpu.memory_space<vmem>>[vector<16xi32>, vector<16xi32>], vector<16xf32>,
      %swap3A_154 = arith.constant 6 : i32
      %swap3A_155 = arith.index_cast %swap3A_154 : i32 to index
      %swap3A_156 = arith.index_cast %mul3A_14 : i32 to index
      %swap3A_157 = tpu.vector_load %arg23[%swap3A_155, %swap3A_156] {strides = array<i32>} : memref<16x512xf32, #tpu.memory_space<vmem>>, vector<16xf32>,
      tpu.vector_store %arg23[%swap3A_155, %swap3A_156], %gather3A_153 {strides = array<i32>} : memref<16x512xf32, #tpu.memory_space<vmem>>, vector<16xf32>,
      %gather3A_158 = tpu.vector_load_idx %arg28[%broadcast_in_dim3A_152, %get3A_17] : memref<16x3xf32, #tpu.memory_space<vmem>>[vector<16xi32>, vector<16xi32>], vector<16xf32>,
      %swap3A_159 = arith.constant 6 : i32
      %swap3A_160 = arith.index_cast %swap3A_159 : i32 to index
      %swap3A_161 = arith.index_cast %mul3A_14 : i32 to index
      %swap3A_162 = tpu.vector_load %arg24[%swap3A_160, %swap3A_161] {strides = array<i32>} : memref<16x512xf32, #tpu.memory_space<vmem>>, vector<16xf32>,
      tpu.vector_store %arg24[%swap3A_160, %swap3A_161], %gather3A_158 {strides = array<i32>} : memref<16x512xf32, #tpu.memory_space<vmem>>, vector<16xf32>,
      %gather3A_163 = tpu.vector_load_idx %arg29[%broadcast_in_dim3A_152, %get3A_19] : memref<16x64xf32, #tpu.memory_space<vmem>>[vector<16xi32>, vector<16xi32>], vector<16xf32>,
      %swap3A_164 = arith.constant 6 : i32
      %swap3A_165 = arith.index_cast %swap3A_164 : i32 to index
      %swap3A_166 = arith.index_cast %mul3A_14 : i32 to index
      %swap3A_167 = tpu.vector_load %arg25[%swap3A_165, %swap3A_166] {strides = array<i32>} : memref<16x512xf32, #tpu.memory_space<vmem>>, vector<16xf32>,
      tpu.vector_store %arg25[%swap3A_165, %swap3A_166], %gather3A_163 {strides = array<i32>} : memref<16x512xf32, #tpu.memory_space<vmem>>, vector<16xf32>,
      %gather3A_168 = tpu.vector_load_idx %arg30[%broadcast_in_dim3A_152, %get3A_21] : memref<16x1000xf32, #tpu.memory_space<vmem>>[vector<16xi32>, vector<16xi32>], vector<16xf32>,
      %swap3A_169 = arith.constant 6 : i32
      %swap3A_170 = arith.index_cast %swap3A_169 : i32 to index
      %swap3A_171 = arith.index_cast %mul3A_14 : i32 to index
      %swap3A_172 = tpu.vector_load %arg26[%swap3A_170, %swap3A_171] {strides = array<i32>} : memref<16x512xf32, #tpu.memory_space<vmem>>, vector<16xf32>,
      tpu.vector_store %arg26[%swap3A_170, %swap3A_171], %gather3A_168 {strides = array<i32>} : memref<16x512xf32, #tpu.memory_space<vmem>>, vector<16xf32>,
      %broadcast_in_dim3A_173 = arith.constant 7 : i32
      %broadcast_in_dim3A_174 = vector.broadcast %broadcast_in_dim3A_173 : i32 to vector<16xi32>
      %gather3A_175 = tpu.vector_load_idx %arg27[%broadcast_in_dim3A_174, %get3A_15] : memref<16x8xf32, #tpu.memory_space<vmem>>[vector<16xi32>, vector<16xi32>], vector<16xf32>,
      %swap3A_176 = arith.constant 7 : i32
      %swap3A_177 = arith.index_cast %swap3A_176 : i32 to index
      %swap3A_178 = arith.index_cast %mul3A_14 : i32 to index
      %swap3A_179 = tpu.vector_load %arg23[%swap3A_177, %swap3A_178] {strides = array<i32>} : memref<16x512xf32, #tpu.memory_space<vmem>>, vector<16xf32>,
      tpu.vector_store %arg23[%swap3A_177, %swap3A_178], %gather3A_175 {strides = array<i32>} : memref<16x512xf32, #tpu.memory_space<vmem>>, vector<16xf32>,
      %gather3A_180 = tpu.vector_load_idx %arg28[%broadcast_in_dim3A_174, %get3A_17] : memref<16x3xf32, #tpu.memory_space<vmem>>[vector<16xi32>, vector<16xi32>], vector<16xf32>,
      %swap3A_181 = arith.constant 7 : i32
      %swap3A_182 = arith.index_cast %swap3A_181 : i32 to index
      %swap3A_183 = arith.index_cast %mul3A_14 : i32 to index
      %swap3A_184 = tpu.vector_load %arg24[%swap3A_182, %swap3A_183] {strides = array<i32>} : memref<16x512xf32, #tpu.memory_space<vmem>>, vector<16xf32>,
      tpu.vector_store %arg24[%swap3A_182, %swap3A_183], %gather3A_180 {strides = array<i32>} : memref<16x512xf32, #tpu.memory_space<vmem>>, vector<16xf32>,
      %gather3A_185 = tpu.vector_load_idx %arg29[%broadcast_in_dim3A_174, %get3A_19] : memref<16x64xf32, #tpu.memory_space<vmem>>[vector<16xi32>, vector<16xi32>], vector<16xf32>,
      %swap3A_186 = arith.constant 7 : i32
      %swap3A_187 = arith.index_cast %swap3A_186 : i32 to index
      %swap3A_188 = arith.index_cast %mul3A_14 : i32 to index
      %swap3A_189 = tpu.vector_load %arg25[%swap3A_187, %swap3A_188] {strides = array<i32>} : memref<16x512xf32, #tpu.memory_space<vmem>>, vector<16xf32>,
      tpu.vector_store %arg25[%swap3A_187, %swap3A_188], %gather3A_185 {strides = array<i32>} : memref<16x512xf32, #tpu.memory_space<vmem>>, vector<16xf32>,
      %gather3A_190 = tpu.vector_load_idx %arg30[%broadcast_in_dim3A_174, %get3A_21] : memref<16x1000xf32, #tpu.memory_space<vmem>>[vector<16xi32>, vector<16xi32>], vector<16xf32>,
      %swap3A_191 = arith.constant 7 : i32
      %swap3A_192 = arith.index_cast %swap3A_191 : i32 to index
      %swap3A_193 = arith.index_cast %mul3A_14 : i32 to index
      %swap3A_194 = tpu.vector_load %arg26[%swap3A_192, %swap3A_193] {strides = array<i32>} : memref<16x512xf32, #tpu.memory_space<vmem>>, vector<16xf32>,
      tpu.vector_store %arg26[%swap3A_192, %swap3A_193], %gather3A_190 {strides = array<i32>} : memref<16x512xf32, #tpu.memory_space<vmem>>, vector<16xf32>,
      %broadcast_in_dim3A_195 = arith.constant 8 : i32
      %broadcast_in_dim3A_196 = vector.broadcast %broadcast_in_dim3A_195 : i32 to vector<16xi32>
      %gather3A_197 = tpu.vector_load_idx %arg27[%broadcast_in_dim3A_196, %get3A_15] : memref<16x8xf32, #tpu.memory_space<vmem>>[vector<16xi32>, vector<16xi32>], vector<16xf32>,
      %swap3A_198 = arith.constant 8 : i32
      %swap3A_199 = arith.index_cast %swap3A_198 : i32 to index
      %swap3A_200 = arith.index_cast %mul3A_14 : i32 to index
      %swap3A_201 = tpu.vector_load %arg23[%swap3A_199, %swap3A_200] {strides = array<i32>} : memref<16x512xf32, #tpu.memory_space<vmem>>, vector<16xf32>,
      tpu.vector_store %arg23[%swap3A_199, %swap3A_200], %gather3A_197 {strides = array<i32>} : memref<16x512xf32, #tpu.memory_space<vmem>>, vector<16xf32>,
      %gather3A_202 = tpu.vector_load_idx %arg28[%broadcast_in_dim3A_196, %get3A_17] : memref<16x3xf32, #tpu.memory_space<vmem>>[vector<16xi32>, vector<16xi32>], vector<16xf32>,
      %swap3A_203 = arith.constant 8 : i32
      %swap3A_204 = arith.index_cast %swap3A_203 : i32 to index
      %swap3A_205 = arith.index_cast %mul3A_14 : i32 to index
      %swap3A_206 = tpu.vector_load %arg24[%swap3A_204, %swap3A_205] {strides = array<i32>} : memref<16x512xf32, #tpu.memory_space<vmem>>, vector<16xf32>,
      tpu.vector_store %arg24[%swap3A_204, %swap3A_205], %gather3A_202 {strides = array<i32>} : memref<16x512xf32, #tpu.memory_space<vmem>>, vector<16xf32>,
      %gather3A_207 = tpu.vector_load_idx %arg29[%broadcast_in_dim3A_196, %get3A_19] : memref<16x64xf32, #tpu.memory_space<vmem>>[vector<16xi32>, vector<16xi32>], vector<16xf32>,
      %swap3A_208 = arith.constant 8 : i32
      %swap3A_209 = arith.index_cast %swap3A_208 : i32 to index
      %swap3A_210 = arith.index_cast %mul3A_14 : i32 to index
      %swap3A_211 = tpu.vector_load %arg25[%swap3A_209, %swap3A_210] {strides = array<i32>} : memref<16x512xf32, #tpu.memory_space<vmem>>, vector<16xf32>,
      tpu.vector_store %arg25[%swap3A_209, %swap3A_210], %gather3A_207 {strides = array<i32>} : memref<16x512xf32, #tpu.memory_space<vmem>>, vector<16xf32>,
      %gather3A_212 = tpu.vector_load_idx %arg30[%broadcast_in_dim3A_196, %get3A_21] : memref<16x1000xf32, #tpu.memory_space<vmem>>[vector<16xi32>, vector<16xi32>], vector<16xf32>,
      %swap3A_213 = arith.constant 8 : i32
      %swap3A_214 = arith.index_cast %swap3A_213 : i32 to index
      %swap3A_215 = arith.index_cast %mul3A_14 : i32 to index
      %swap3A_216 = tpu.vector_load %arg26[%swap3A_214, %swap3A_215] {strides = array<i32>} : memref<16x512xf32, #tpu.memory_space<vmem>>, vector<16xf32>,
      tpu.vector_store %arg26[%swap3A_214, %swap3A_215], %gather3A_212 {strides = array<i32>} : memref<16x512xf32, #tpu.memory_space<vmem>>, vector<16xf32>,
      %broadcast_in_dim3A_217 = arith.constant 9 : i32
      %broadcast_in_dim3A_218 = vector.broadcast %broadcast_in_dim3A_217 : i32 to vector<16xi32>
      %gather3A_219 = tpu.vector_load_idx %arg27[%broadcast_in_dim3A_218, %get3A_15] : memref<16x8xf32, #tpu.memory_space<vmem>>[vector<16xi32>, vector<16xi32>], vector<16xf32>,
      %swap3A_220 = arith.constant 9 : i32
      %swap3A_221 = arith.index_cast %swap3A_220 : i32 to index
      %swap3A_222 = arith.index_cast %mul3A_14 : i32 to index
      %swap3A_223 = tpu.vector_load %arg23[%swap3A_221, %swap3A_222] {strides = array<i32>} : memref<16x512xf32, #tpu.memory_space<vmem>>, vector<16xf32>,
      tpu.vector_store %arg23[%swap3A_221, %swap3A_222], %gather3A_219 {strides = array<i32>} : memref<16x512xf32, #tpu.memory_space<vmem>>, vector<16xf32>,
      %gather3A_224 = tpu.vector_load_idx %arg28[%broadcast_in_dim3A_218, %get3A_17] : memref<16x3xf32, #tpu.memory_space<vmem>>[vector<16xi32>, vector<16xi32>], vector<16xf32>,
      %swap3A_225 = arith.constant 9 : i32
      %swap3A_226 = arith.index_cast %swap3A_225 : i32 to index
      %swap3A_227 = arith.index_cast %mul3A_14 : i32 to index
      %swap3A_228 = tpu.vector_load %arg24[%swap3A_226, %swap3A_227] {strides = array<i32>} : memref<16x512xf32, #tpu.memory_space<vmem>>, vector<16xf32>,
      tpu.vector_store %arg24[%swap3A_226, %swap3A_227], %gather3A_224 {strides = array<i32>} : memref<16x512xf32, #tpu.memory_space<vmem>>, vector<16xf32>,
      %gather3A_229 = tpu.vector_load_idx %arg29[%broadcast_in_dim3A_218, %get3A_19] : memref<16x64xf32, #tpu.memory_space<vmem>>[vector<16xi32>, vector<16xi32>], vector<16xf32>,
      %swap3A_230 = arith.constant 9 : i32
      %swap3A_231 = arith.index_cast %swap3A_230 : i32 to index
      %swap3A_232 = arith.index_cast %mul3A_14 : i32 to index
      %swap3A_233 = tpu.vector_load %arg25[%swap3A_231, %swap3A_232] {strides = array<i32>} : memref<16x512xf32, #tpu.memory_space<vmem>>, vector<16xf32>,
      tpu.vector_store %arg25[%swap3A_231, %swap3A_232], %gather3A_229 {strides = array<i32>} : memref<16x512xf32, #tpu.memory_space<vmem>>, vector<16xf32>,
      %gather3A_234 = tpu.vector_load_idx %arg30[%broadcast_in_dim3A_218, %get3A_21] : memref<16x1000xf32, #tpu.memory_space<vmem>>[vector<16xi32>, vector<16xi32>], vector<16xf32>,
      %swap3A_235 = arith.constant 9 : i32
      %swap3A_236 = arith.index_cast %swap3A_235 : i32 to index
      %swap3A_237 = arith.index_cast %mul3A_14 : i32 to index
      %swap3A_238 = tpu.vector_load %arg26[%swap3A_236, %swap3A_237] {strides = array<i32>} : memref<16x512xf32, #tpu.memory_space<vmem>>, vector<16xf32>,
      tpu.vector_store %arg26[%swap3A_236, %swap3A_237], %gather3A_234 {strides = array<i32>} : memref<16x512xf32, #tpu.memory_space<vmem>>, vector<16xf32>,
      %broadcast_in_dim3A_239 = arith.constant 10 : i32
      %broadcast_in_dim3A_240 = vector.broadcast %broadcast_in_dim3A_239 : i32 to vector<16xi32>
      %gather3A_241 = tpu.vector_load_idx %arg27[%broadcast_in_dim3A_240, %get3A_15] : memref<16x8xf32, #tpu.memory_space<vmem>>[vector<16xi32>, vector<16xi32>], vector<16xf32>,
      %swap3A_242 = arith.constant 10 : i32
      %swap3A_243 = arith.index_cast %swap3A_242 : i32 to index
      %swap3A_244 = arith.index_cast %mul3A_14 : i32 to index
      %swap3A_245 = tpu.vector_load %arg23[%swap3A_243, %swap3A_244] {strides = array<i32>} : memref<16x512xf32, #tpu.memory_space<vmem>>, vector<16xf32>,
      tpu.vector_store %arg23[%swap3A_243, %swap3A_244], %gather3A_241 {strides = array<i32>} : memref<16x512xf32, #tpu.memory_space<vmem>>, vector<16xf32>,
      %gather3A_246 = tpu.vector_load_idx %arg28[%broadcast_in_dim3A_240, %get3A_17] : memref<16x3xf32, #tpu.memory_space<vmem>>[vector<16xi32>, vector<16xi32>], vector<16xf32>,
      %swap3A_247 = arith.constant 10 : i32
      %swap3A_248 = arith.index_cast %swap3A_247 : i32 to index
      %swap3A_249 = arith.index_cast %mul3A_14 : i32 to index
      %swap3A_250 = tpu.vector_load %arg24[%swap3A_248, %swap3A_249] {strides = array<i32>} : memref<16x512xf32, #tpu.memory_space<vmem>>, vector<16xf32>,
      tpu.vector_store %arg24[%swap3A_248, %swap3A_249], %gather3A_246 {strides = array<i32>} : memref<16x512xf32, #tpu.memory_space<vmem>>, vector<16xf32>,
      %gather3A_251 = tpu.vector_load_idx %arg29[%broadcast_in_dim3A_240, %get3A_19] : memref<16x64xf32, #tpu.memory_space<vmem>>[vector<16xi32>, vector<16xi32>], vector<16xf32>,
      %swap3A_252 = arith.constant 10 : i32
      %swap3A_253 = arith.index_cast %swap3A_252 : i32 to index
      %swap3A_254 = arith.index_cast %mul3A_14 : i32 to index
      %swap3A_255 = tpu.vector_load %arg25[%swap3A_253, %swap3A_254] {strides = array<i32>} : memref<16x512xf32, #tpu.memory_space<vmem>>, vector<16xf32>,
      tpu.vector_store %arg25[%swap3A_253, %swap3A_254], %gather3A_251 {strides = array<i32>} : memref<16x512xf32, #tpu.memory_space<vmem>>, vector<16xf32>,
      %gather3A_256 = tpu.vector_load_idx %arg30[%broadcast_in_dim3A_240, %get3A_21] : memref<16x1000xf32, #tpu.memory_space<vmem>>[vector<16xi32>, vector<16xi32>], vector<16xf32>,
      %swap3A_257 = arith.constant 10 : i32
      %swap3A_258 = arith.index_cast %swap3A_257 : i32 to index
      %swap3A_259 = arith.index_cast %mul3A_14 : i32 to index
      %swap3A_260 = tpu.vector_load %arg26[%swap3A_258, %swap3A_259] {strides = array<i32>} : memref<16x512xf32, #tpu.memory_space<vmem>>, vector<16xf32>,
      tpu.vector_store %arg26[%swap3A_258, %swap3A_259], %gather3A_256 {strides = array<i32>} : memref<16x512xf32, #tpu.memory_space<vmem>>, vector<16xf32>,
      %broadcast_in_dim3A_261 = arith.constant 11 : i32
      %broadcast_in_dim3A_262 = vector.broadcast %broadcast_in_dim3A_261 : i32 to vector<16xi32>
      %gather3A_263 = tpu.vector_load_idx %arg27[%broadcast_in_dim3A_262, %get3A_15] : memref<16x8xf32, #tpu.memory_space<vmem>>[vector<16xi32>, vector<16xi32>], vector<16xf32>,
      %swap3A_264 = arith.constant 11 : i32
      %swap3A_265 = arith.index_cast %swap3A_264 : i32 to index
      %swap3A_266 = arith.index_cast %mul3A_14 : i32 to index
      %swap3A_267 = tpu.vector_load %arg23[%swap3A_265, %swap3A_266] {strides = array<i32>} : memref<16x512xf32, #tpu.memory_space<vmem>>, vector<16xf32>,
      tpu.vector_store %arg23[%swap3A_265, %swap3A_266], %gather3A_263 {strides = array<i32>} : memref<16x512xf32, #tpu.memory_space<vmem>>, vector<16xf32>,
      %gather3A_268 = tpu.vector_load_idx %arg28[%broadcast_in_dim3A_262, %get3A_17] : memref<16x3xf32, #tpu.memory_space<vmem>>[vector<16xi32>, vector<16xi32>], vector<16xf32>,
      %swap3A_269 = arith.constant 11 : i32
      %swap3A_270 = arith.index_cast %swap3A_269 : i32 to index
      %swap3A_271 = arith.index_cast %mul3A_14 : i32 to index
      %swap3A_272 = tpu.vector_load %arg24[%swap3A_270, %swap3A_271] {strides = array<i32>} : memref<16x512xf32, #tpu.memory_space<vmem>>, vector<16xf32>,
      tpu.vector_store %arg24[%swap3A_270, %swap3A_271], %gather3A_268 {strides = array<i32>} : memref<16x512xf32, #tpu.memory_space<vmem>>, vector<16xf32>,
      %gather3A_273 = tpu.vector_load_idx %arg29[%broadcast_in_dim3A_262, %get3A_19] : memref<16x64xf32, #tpu.memory_space<vmem>>[vector<16xi32>, vector<16xi32>], vector<16xf32>,
      %swap3A_274 = arith.constant 11 : i32
      %swap3A_275 = arith.index_cast %swap3A_274 : i32 to index
      %swap3A_276 = arith.index_cast %mul3A_14 : i32 to index
      %swap3A_277 = tpu.vector_load %arg25[%swap3A_275, %swap3A_276] {strides = array<i32>} : memref<16x512xf32, #tpu.memory_space<vmem>>, vector<16xf32>,
      tpu.vector_store %arg25[%swap3A_275, %swap3A_276], %gather3A_273 {strides = array<i32>} : memref<16x512xf32, #tpu.memory_space<vmem>>, vector<16xf32>,
      %gather3A_278 = tpu.vector_load_idx %arg30[%broadcast_in_dim3A_262, %get3A_21] : memref<16x1000xf32, #tpu.memory_space<vmem>>[vector<16xi32>, vector<16xi32>], vector<16xf32>,
      %swap3A_279 = arith.constant 11 : i32
      %swap3A_280 = arith.index_cast %swap3A_279 : i32 to index
      %swap3A_281 = arith.index_cast %mul3A_14 : i32 to index
      %swap3A_282 = tpu.vector_load %arg26[%swap3A_280, %swap3A_281] {strides = array<i32>} : memref<16x512xf32, #tpu.memory_space<vmem>>, vector<16xf32>,
      tpu.vector_store %arg26[%swap3A_280, %swap3A_281], %gather3A_278 {strides = array<i32>} : memref<16x512xf32, #tpu.memory_space<vmem>>, vector<16xf32>,
      %broadcast_in_dim3A_283 = arith.constant 12 : i32
      %broadcast_in_dim3A_284 = vector.broadcast %broadcast_in_dim3A_283 : i32 to vector<16xi32>
      %gather3A_285 = tpu.vector_load_idx %arg27[%broadcast_in_dim3A_284, %get3A_15] : memref<16x8xf32, #tpu.memory_space<vmem>>[vector<16xi32>, vector<16xi32>], vector<16xf32>,
      %swap3A_286 = arith.constant 12 : i32
      %swap3A_287 = arith.index_cast %swap3A_286 : i32 to index
      %swap3A_288 = arith.index_cast %mul3A_14 : i32 to index
      %swap3A_289 = tpu.vector_load %arg23[%swap3A_287, %swap3A_288] {strides = array<i32>} : memref<16x512xf32, #tpu.memory_space<vmem>>, vector<16xf32>,
      tpu.vector_store %arg23[%swap3A_287, %swap3A_288], %gather3A_285 {strides = array<i32>} : memref<16x512xf32, #tpu.memory_space<vmem>>, vector<16xf32>,
      %gather3A_290 = tpu.vector_load_idx %arg28[%broadcast_in_dim3A_284, %get3A_17] : memref<16x3xf32, #tpu.memory_space<vmem>>[vector<16xi32>, vector<16xi32>], vector<16xf32>,
      %swap3A_291 = arith.constant 12 : i32
      %swap3A_292 = arith.index_cast %swap3A_291 : i32 to index
      %swap3A_293 = arith.index_cast %mul3A_14 : i32 to index
      %swap3A_294 = tpu.vector_load %arg24[%swap3A_292, %swap3A_293] {strides = array<i32>} : memref<16x512xf32, #tpu.memory_space<vmem>>, vector<16xf32>,
      tpu.vector_store %arg24[%swap3A_292, %swap3A_293], %gather3A_290 {strides = array<i32>} : memref<16x512xf32, #tpu.memory_space<vmem>>, vector<16xf32>,
      %gather3A_295 = tpu.vector_load_idx %arg29[%broadcast_in_dim3A_284, %get3A_19] : memref<16x64xf32, #tpu.memory_space<vmem>>[vector<16xi32>, vector<16xi32>], vector<16xf32>,
      %swap3A_296 = arith.constant 12 : i32
      %swap3A_297 = arith.index_cast %swap3A_296 : i32 to index
      %swap3A_298 = arith.index_cast %mul3A_14 : i32 to index
      %swap3A_299 = tpu.vector_load %arg25[%swap3A_297, %swap3A_298] {strides = array<i32>} : memref<16x512xf32, #tpu.memory_space<vmem>>, vector<16xf32>,
      tpu.vector_store %arg25[%swap3A_297, %swap3A_298], %gather3A_295 {strides = array<i32>} : memref<16x512xf32, #tpu.memory_space<vmem>>, vector<16xf32>,
      %gather3A_300 = tpu.vector_load_idx %arg30[%broadcast_in_dim3A_284, %get3A_21] : memref<16x1000xf32, #tpu.memory_space<vmem>>[vector<16xi32>, vector<16xi32>], vector<16xf32>,
      %swap3A_301 = arith.constant 12 : i32
      %swap3A_302 = arith.index_cast %swap3A_301 : i32 to index
      %swap3A_303 = arith.index_cast %mul3A_14 : i32 to index
      %swap3A_304 = tpu.vector_load %arg26[%swap3A_302, %swap3A_303] {strides = array<i32>} : memref<16x512xf32, #tpu.memory_space<vmem>>, vector<16xf32>,
      tpu.vector_store %arg26[%swap3A_302, %swap3A_303], %gather3A_300 {strides = array<i32>} : memref<16x512xf32, #tpu.memory_space<vmem>>, vector<16xf32>,
      %broadcast_in_dim3A_305 = arith.constant 13 : i32
      %broadcast_in_dim3A_306 = vector.broadcast %broadcast_in_dim3A_305 : i32 to vector<16xi32>
      %gather3A_307 = tpu.vector_load_idx %arg27[%broadcast_in_dim3A_306, %get3A_15] : memref<16x8xf32, #tpu.memory_space<vmem>>[vector<16xi32>, vector<16xi32>], vector<16xf32>,
      %swap3A_308 = arith.constant 13 : i32
      %swap3A_309 = arith.index_cast %swap3A_308 : i32 to index
      %swap3A_310 = arith.index_cast %mul3A_14 : i32 to index
      %swap3A_311 = tpu.vector_load %arg23[%swap3A_309, %swap3A_310] {strides = array<i32>} : memref<16x512xf32, #tpu.memory_space<vmem>>, vector<16xf32>,
      tpu.vector_store %arg23[%swap3A_309, %swap3A_310], %gather3A_307 {strides = array<i32>} : memref<16x512xf32, #tpu.memory_space<vmem>>, vector<16xf32>,
      %gather3A_312 = tpu.vector_load_idx %arg28[%broadcast_in_dim3A_306, %get3A_17] : memref<16x3xf32, #tpu.memory_space<vmem>>[vector<16xi32>, vector<16xi32>], vector<16xf32>,
      %swap3A_313 = arith.constant 13 : i32
      %swap3A_314 = arith.index_cast %swap3A_313 : i32 to index
      %swap3A_315 = arith.index_cast %mul3A_14 : i32 to index
      %swap3A_316 = tpu.vector_load %arg24[%swap3A_314, %swap3A_315] {strides = array<i32>} : memref<16x512xf32, #tpu.memory_space<vmem>>, vector<16xf32>,
      tpu.vector_store %arg24[%swap3A_314, %swap3A_315], %gather3A_312 {strides = array<i32>} : memref<16x512xf32, #tpu.memory_space<vmem>>, vector<16xf32>,
      %gather3A_317 = tpu.vector_load_idx %arg29[%broadcast_in_dim3A_306, %get3A_19] : memref<16x64xf32, #tpu.memory_space<vmem>>[vector<16xi32>, vector<16xi32>], vector<16xf32>,
      %swap3A_318 = arith.constant 13 : i32
      %swap3A_319 = arith.index_cast %swap3A_318 : i32 to index
      %swap3A_320 = arith.index_cast %mul3A_14 : i32 to index
      %swap3A_321 = tpu.vector_load %arg25[%swap3A_319, %swap3A_320] {strides = array<i32>} : memref<16x512xf32, #tpu.memory_space<vmem>>, vector<16xf32>,
      tpu.vector_store %arg25[%swap3A_319, %swap3A_320], %gather3A_317 {strides = array<i32>} : memref<16x512xf32, #tpu.memory_space<vmem>>, vector<16xf32>,
      %gather3A_322 = tpu.vector_load_idx %arg30[%broadcast_in_dim3A_306, %get3A_21] : memref<16x1000xf32, #tpu.memory_space<vmem>>[vector<16xi32>, vector<16xi32>], vector<16xf32>,
      %swap3A_323 = arith.constant 13 : i32
      %swap3A_324 = arith.index_cast %swap3A_323 : i32 to index
      %swap3A_325 = arith.index_cast %mul3A_14 : i32 to index
      %swap3A_326 = tpu.vector_load %arg26[%swap3A_324, %swap3A_325] {strides = array<i32>} : memref<16x512xf32, #tpu.memory_space<vmem>>, vector<16xf32>,
      tpu.vector_store %arg26[%swap3A_324, %swap3A_325], %gather3A_322 {strides = array<i32>} : memref<16x512xf32, #tpu.memory_space<vmem>>, vector<16xf32>,
      %broadcast_in_dim3A_327 = arith.constant 14 : i32
      %broadcast_in_dim3A_328 = vector.broadcast %broadcast_in_dim3A_327 : i32 to vector<16xi32>
      %gather3A_329 = tpu.vector_load_idx %arg27[%broadcast_in_dim3A_328, %get3A_15] : memref<16x8xf32, #tpu.memory_space<vmem>>[vector<16xi32>, vector<16xi32>], vector<16xf32>,
      %swap3A_330 = arith.constant 14 : i32
      %swap3A_331 = arith.index_cast %swap3A_330 : i32 to index
      %swap3A_332 = arith.index_cast %mul3A_14 : i32 to index
      %swap3A_333 = tpu.vector_load %arg23[%swap3A_331, %swap3A_332] {strides = array<i32>} : memref<16x512xf32, #tpu.memory_space<vmem>>, vector<16xf32>,
      tpu.vector_store %arg23[%swap3A_331, %swap3A_332], %gather3A_329 {strides = array<i32>} : memref<16x512xf32, #tpu.memory_space<vmem>>, vector<16xf32>,
      %gather3A_334 = tpu.vector_load_idx %arg28[%broadcast_in_dim3A_328, %get3A_17] : memref<16x3xf32, #tpu.memory_space<vmem>>[vector<16xi32>, vector<16xi32>], vector<16xf32>,
      %swap3A_335 = arith.constant 14 : i32
      %swap3A_336 = arith.index_cast %swap3A_335 : i32 to index
      %swap3A_337 = arith.index_cast %mul3A_14 : i32 to index
      %swap3A_338 = tpu.vector_load %arg24[%swap3A_336, %swap3A_337] {strides = array<i32>} : memref<16x512xf32, #tpu.memory_space<vmem>>, vector<16xf32>,
      tpu.vector_store %arg24[%swap3A_336, %swap3A_337], %gather3A_334 {strides = array<i32>} : memref<16x512xf32, #tpu.memory_space<vmem>>, vector<16xf32>,
      %gather3A_339 = tpu.vector_load_idx %arg29[%broadcast_in_dim3A_328, %get3A_19] : memref<16x64xf32, #tpu.memory_space<vmem>>[vector<16xi32>, vector<16xi32>], vector<16xf32>,
      %swap3A_340 = arith.constant 14 : i32
      %swap3A_341 = arith.index_cast %swap3A_340 : i32 to index
      %swap3A_342 = arith.index_cast %mul3A_14 : i32 to index
      %swap3A_343 = tpu.vector_load %arg25[%swap3A_341, %swap3A_342] {strides = array<i32>} : memref<16x512xf32, #tpu.memory_space<vmem>>, vector<16xf32>,
      tpu.vector_store %arg25[%swap3A_341, %swap3A_342], %gather3A_339 {strides = array<i32>} : memref<16x512xf32, #tpu.memory_space<vmem>>, vector<16xf32>,
      %gather3A_344 = tpu.vector_load_idx %arg30[%broadcast_in_dim3A_328, %get3A_21] : memref<16x1000xf32, #tpu.memory_space<vmem>>[vector<16xi32>, vector<16xi32>], vector<16xf32>,
      %swap3A_345 = arith.constant 14 : i32
      %swap3A_346 = arith.index_cast %swap3A_345 : i32 to index
      %swap3A_347 = arith.index_cast %mul3A_14 : i32 to index
      %swap3A_348 = tpu.vector_load %arg26[%swap3A_346, %swap3A_347] {strides = array<i32>} : memref<16x512xf32, #tpu.memory_space<vmem>>, vector<16xf32>,
      tpu.vector_store %arg26[%swap3A_346, %swap3A_347], %gather3A_344 {strides = array<i32>} : memref<16x512xf32, #tpu.memory_space<vmem>>, vector<16xf32>,
      %broadcast_in_dim3A_349 = arith.constant 15 : i32
      %broadcast_in_dim3A_350 = vector.broadcast %broadcast_in_dim3A_349 : i32 to vector<16xi32>
      %gather3A_351 = tpu.vector_load_idx %arg27[%broadcast_in_dim3A_350, %get3A_15] : memref<16x8xf32, #tpu.memory_space<vmem>>[vector<16xi32>, vector<16xi32>], vector<16xf32>,
      %swap3A_352 = arith.constant 15 : i32
      %swap3A_353 = arith.index_cast %swap3A_352 : i32 to index
      %swap3A_354 = arith.index_cast %mul3A_14 : i32 to index
      %swap3A_355 = tpu.vector_load %arg23[%swap3A_353, %swap3A_354] {strides = array<i32>} : memref<16x512xf32, #tpu.memory_space<vmem>>, vector<16xf32>,
      tpu.vector_store %arg23[%swap3A_353, %swap3A_354], %gather3A_351 {strides = array<i32>} : memref<16x512xf32, #tpu.memory_space<vmem>>, vector<16xf32>,
      %gather3A_356 = tpu.vector_load_idx %arg28[%broadcast_in_dim3A_350, %get3A_17] : memref<16x3xf32, #tpu.memory_space<vmem>>[vector<16xi32>, vector<16xi32>], vector<16xf32>,
      %swap3A_357 = arith.constant 15 : i32
      %swap3A_358 = arith.index_cast %swap3A_357 : i32 to index
      %swap3A_359 = arith.index_cast %mul3A_14 : i32 to index
      %swap3A_360 = tpu.vector_load %arg24[%swap3A_358, %swap3A_359] {strides = array<i32>} : memref<16x512xf32, #tpu.memory_space<vmem>>, vector<16xf32>,
      tpu.vector_store %arg24[%swap3A_358, %swap3A_359], %gather3A_356 {strides = array<i32>} : memref<16x512xf32, #tpu.memory_space<vmem>>, vector<16xf32>,
      %gather3A_361 = tpu.vector_load_idx %arg29[%broadcast_in_dim3A_350, %get3A_19] : memref<16x64xf32, #tpu.memory_space<vmem>>[vector<16xi32>, vector<16xi32>], vector<16xf32>,
      %swap3A_362 = arith.constant 15 : i32
      %swap3A_363 = arith.index_cast %swap3A_362 : i32 to index
      %swap3A_364 = arith.index_cast %mul3A_14 : i32 to index
      %swap3A_365 = tpu.vector_load %arg25[%swap3A_363, %swap3A_364] {strides = array<i32>} : memref<16x512xf32, #tpu.memory_space<vmem>>, vector<16xf32>,
      tpu.vector_store %arg25[%swap3A_363, %swap3A_364], %gather3A_361 {strides = array<i32>} : memref<16x512xf32, #tpu.memory_space<vmem>>, vector<16xf32>,
      %gather3A_366 = tpu.vector_load_idx %arg30[%broadcast_in_dim3A_350, %get3A_21] : memref<16x1000xf32, #tpu.memory_space<vmem>>[vector<16xi32>, vector<16xi32>], vector<16xf32>,
      %swap3A_367 = arith.constant 15 : i32
      %swap3A_368 = arith.index_cast %swap3A_367 : i32 to index
      %swap3A_369 = arith.index_cast %mul3A_14 : i32 to index
      %swap3A_370 = tpu.vector_load %arg26[%swap3A_368, %swap3A_369] {strides = array<i32>} : memref<16x512xf32, #tpu.memory_space<vmem>>, vector<16xf32>,
      tpu.vector_store %arg26[%swap3A_368, %swap3A_369], %gather3A_366 {strides = array<i32>} : memref<16x512xf32, #tpu.memory_space<vmem>>, vector<16xf32>,
    }
    %scan3A_9 = arith.constant 32 : i32
    %dma_wait3A = arith.constant 0 : i32
    %dma_wait3A_10 = arith.constant 0 : i32
    %dma_wait3A_11 = tpu.memref_slice %arg7[%dma_wait3A, %dma_wait3A_10] : memref<251904x128xf32, #tpu.memory_space<hbm>> -> memref<251904x128xf32, #tpu.memory_space<hbm>>
    tpu.wait_indirect_dma semaphore(%arg31 : memref<!tpu.dma_semaphore, #tpu.memory_space<semaphore_mem>>) src(%dma_wait3A_11 : memref<251904x128xf32, #tpu.memory_space<hbm>>) dst(%arg22 : memref<512x128xf32, #tpu.memory_space<vmem>>)
    "tpu.region"() ({
      %run_scoped3A = tpu.sem_alloc : memref<!tpu.dma_semaphore, #tpu.memory_space<semaphore_mem>>
      %dma_start3A_12 = arith.constant 0 : i32
      %dma_start3A_13 = tpu.memref_slice %arg12[%mul3A_2, %dma_start3A_12] : memref<16384x128xf32, #tpu.memory_space<hbm>> -> memref<512x128xf32, #tpu.memory_space<hbm>>
      %dma_start3A_14 = arith.constant 0 : i32
      %dma_start3A_15 = tpu.memref_slice %arg12[%mul3A_2, %dma_start3A_14] : memref<16384x128xf32, #tpu.memory_space<hbm>> -> memref<512x128xf32, #tpu.memory_space<hbm>>
      tpu.enqueue_dma source(%arg22 : memref<512x128xf32, #tpu.memory_space<vmem>>) target(%dma_start3A_15 : memref<512x128xf32, #tpu.memory_space<hbm>>) target_semaphore(%run_scoped3A : memref<!tpu.dma_semaphore, #tpu.memory_space<semaphore_mem>>)
      %dma_wait3A_16 = arith.constant 0 : i32
      %dma_wait3A_17 = tpu.memref_slice %arg12[%mul3A_2, %dma_wait3A_16] : memref<16384x128xf32, #tpu.memory_space<hbm>> -> memref<512x128xf32, #tpu.memory_space<hbm>>
      %dma_wait3A_18 = arith.constant 0 : i32
      %dma_wait3A_19 = tpu.memref_slice %arg12[%mul3A_2, %dma_wait3A_18] : memref<16384x128xf32, #tpu.memory_space<hbm>> -> memref<512x128xf32, #tpu.memory_space<hbm>>
      tpu.wait_dma2 semaphore(%run_scoped3A : memref<!tpu.dma_semaphore, #tpu.memory_space<semaphore_mem>>) src(%arg22 : memref<512x128xf32, #tpu.memory_space<vmem>>) dst(%dma_wait3A_19 : memref<512x128xf32, #tpu.memory_space<hbm>>)
      tpu.yield
    }) : () -> ()
    "tpu.region"() ({
      %run_scoped3A = tpu.sem_alloc : memref<!tpu.dma_semaphore, #tpu.memory_space<semaphore_mem>>
      %dma_start3A_12 = arith.constant 0 : i32
      %dma_start3A_13 = tpu.memref_slice %arg13[%dma_start3A_12, %mul3A_2] : memref<16x16384xf32, #tpu.memory_space<hbm>> -> memref<16x512xf32, #tpu.memory_space<hbm>>
      %dma_start3A_14 = arith.constant 0 : i32
      %dma_start3A_15 = tpu.memref_slice %arg13[%dma_start3A_14, %mul3A_2] : memref<16x16384xf32, #tpu.memory_space<hbm>> -> memref<16x512xf32, #tpu.memory_space<hbm>>
      tpu.enqueue_dma source(%arg23 : memref<16x512xf32, #tpu.memory_space<vmem>>) target(%dma_start3A_15 : memref<16x512xf32, #tpu.memory_space<hbm>>) target_semaphore(%run_scoped3A : memref<!tpu.dma_semaphore, #tpu.memory_space<semaphore_mem>>)
      %dma_wait3A_16 = arith.constant 0 : i32
      %dma_wait3A_17 = tpu.memref_slice %arg13[%dma_wait3A_16, %mul3A_2] : memref<16x16384xf32, #tpu.memory_space<hbm>> -> memref<16x512xf32, #tpu.memory_space<hbm>>
      %dma_wait3A_18 = arith.constant 0 : i32
      %dma_wait3A_19 = tpu.memref_slice %arg13[%dma_wait3A_18, %mul3A_2] : memref<16x16384xf32, #tpu.memory_space<hbm>> -> memref<16x512xf32, #tpu.memory_space<hbm>>
      tpu.wait_dma2 semaphore(%run_scoped3A : memref<!tpu.dma_semaphore, #tpu.memory_space<semaphore_mem>>) src(%arg23 : memref<16x512xf32, #tpu.memory_space<vmem>>) dst(%dma_wait3A_19 : memref<16x512xf32, #tpu.memory_space<hbm>>)
      tpu.yield
    }) : () -> ()
    "tpu.region"() ({
      %run_scoped3A = tpu.sem_alloc : memref<!tpu.dma_semaphore, #tpu.memory_space<semaphore_mem>>
      %dma_start3A_12 = arith.constant 0 : i32
      %dma_start3A_13 = tpu.memref_slice %arg14[%dma_start3A_12, %mul3A_2] : memref<16x16384xf32, #tpu.memory_space<hbm>> -> memref<16x512xf32, #tpu.memory_space<hbm>>
      %dma_start3A_14 = arith.constant 0 : i32
      %dma_start3A_15 = tpu.memref_slice %arg14[%dma_start3A_14, %mul3A_2] : memref<16x16384xf32, #tpu.memory_space<hbm>> -> memref<16x512xf32, #tpu.memory_space<hbm>>
      tpu.enqueue_dma source(%arg24 : memref<16x512xf32, #tpu.memory_space<vmem>>) target(%dma_start3A_15 : memref<16x512xf32, #tpu.memory_space<hbm>>) target_semaphore(%run_scoped3A : memref<!tpu.dma_semaphore, #tpu.memory_space<semaphore_mem>>)
      %dma_wait3A_16 = arith.constant 0 : i32
      %dma_wait3A_17 = tpu.memref_slice %arg14[%dma_wait3A_16, %mul3A_2] : memref<16x16384xf32, #tpu.memory_space<hbm>> -> memref<16x512xf32, #tpu.memory_space<hbm>>
      %dma_wait3A_18 = arith.constant 0 : i32
      %dma_wait3A_19 = tpu.memref_slice %arg14[%dma_wait3A_18, %mul3A_2] : memref<16x16384xf32, #tpu.memory_space<hbm>> -> memref<16x512xf32, #tpu.memory_space<hbm>>
      tpu.wait_dma2 semaphore(%run_scoped3A : memref<!tpu.dma_semaphore, #tpu.memory_space<semaphore_mem>>) src(%arg24 : memref<16x512xf32, #tpu.memory_space<vmem>>) dst(%dma_wait3A_19 : memref<16x512xf32, #tpu.memory_space<hbm>>)
      tpu.yield
    }) : () -> ()
    "tpu.region"() ({
      %run_scoped3A = tpu.sem_alloc : memref<!tpu.dma_semaphore, #tpu.memory_space<semaphore_mem>>
      %dma_start3A_12 = arith.constant 0 : i32
      %dma_start3A_13 = tpu.memref_slice %arg15[%dma_start3A_12, %mul3A_2] : memref<16x16384xf32, #tpu.memory_space<hbm>> -> memref<16x512xf32, #tpu.memory_space<hbm>>
      %dma_start3A_14 = arith.constant 0 : i32
      %dma_start3A_15 = tpu.memref_slice %arg15[%dma_start3A_14, %mul3A_2] : memref<16x16384xf32, #tpu.memory_space<hbm>> -> memref<16x512xf32, #tpu.memory_space<hbm>>
      tpu.enqueue_dma source(%arg25 : memref<16x512xf32, #tpu.memory_space<vmem>>) target(%dma_start3A_15 : memref<16x512xf32, #tpu.memory_space<hbm>>) target_semaphore(%run_scoped3A : memref<!tpu.dma_semaphore, #tpu.memory_space<semaphore_mem>>)
      %dma_wait3A_16 = arith.constant 0 : i32
      %dma_wait3A_17 = tpu.memref_slice %arg15[%dma_wait3A_16, %mul3A_2] : memref<16x16384xf32, #tpu.memory_space<hbm>> -> memref<16x512xf32, #tpu.memory_space<hbm>>
      %dma_wait3A_18 = arith.constant 0 : i32
      %dma_wait3A_19 = tpu.memref_slice %arg15[%dma_wait3A_18, %mul3A_2] : memref<16x16384xf32, #tpu.memory_space<hbm>> -> memref<16x512xf32, #tpu.memory_space<hbm>>
      tpu.wait_dma2 semaphore(%run_scoped3A : memref<!tpu.dma_semaphore, #tpu.memory_space<semaphore_mem>>) src(%arg25 : memref<16x512xf32, #tpu.memory_space<vmem>>) dst(%dma_wait3A_19 : memref<16x512xf32, #tpu.memory_space<hbm>>)
      tpu.yield
    }) : () -> ()
    "tpu.region"() ({
      %run_scoped3A = tpu.sem_alloc : memref<!tpu.dma_semaphore, #tpu.memory_space<semaphore_mem>>
      %dma_start3A_12 = arith.constant 0 : i32
      %dma_start3A_13 = tpu.memref_slice %arg16[%dma_start3A_12, %mul3A_2] : memref<16x16384xf32, #tpu.memory_space<hbm>> -> memref<16x512xf32, #tpu.memory_space<hbm>>
      %dma_start3A_14 = arith.constant 0 : i32
      %dma_start3A_15 = tpu.memref_slice %arg16[%dma_start3A_14, %mul3A_2] : memref<16x16384xf32, #tpu.memory_space<hbm>> -> memref<16x512xf32, #tpu.memory_space<hbm>>
      tpu.enqueue_dma source(%arg26 : memref<16x512xf32, #tpu.memory_space<vmem>>) target(%dma_start3A_15 : memref<16x512xf32, #tpu.memory_space<hbm>>) target_semaphore(%run_scoped3A : memref<!tpu.dma_semaphore, #tpu.memory_space<semaphore_mem>>)
      %dma_wait3A_16 = arith.constant 0 : i32
      %dma_wait3A_17 = tpu.memref_slice %arg16[%dma_wait3A_16, %mul3A_2] : memref<16x16384xf32, #tpu.memory_space<hbm>> -> memref<16x512xf32, #tpu.memory_space<hbm>>
      %dma_wait3A_18 = arith.constant 0 : i32
      %dma_wait3A_19 = tpu.memref_slice %arg16[%dma_wait3A_18, %mul3A_2] : memref<16x16384xf32, #tpu.memory_space<hbm>> -> memref<16x512xf32, #tpu.memory_space<hbm>>
      tpu.wait_dma2 semaphore(%run_scoped3A : memref<!tpu.dma_semaphore, #tpu.memory_space<semaphore_mem>>) src(%arg26 : memref<16x512xf32, #tpu.memory_space<vmem>>) dst(%dma_wait3A_19 : memref<16x512xf32, #tpu.memory_space<hbm>>)
      tpu.yield
    }) : () -> ()
    return
  }
}

#map = affine_map<(d0, d1) -> (0)>
module attributes {stable_mosaic.version = 14 : i64} {
  func.func @k(%arg0: i32, %arg1: i32, %arg2: memref<16384xi32, #tpu.memory_space<hbm>>, %arg3: memref<1000000xf32, #tpu.memory_space<hbm>>, %arg4: memref<16384xf32, #tpu.memory_space<hbm>>, %arg5: memref<512xi32, #tpu.memory_space<vmem>>, %arg6: memref<512xf32, #tpu.memory_space<vmem>>, %arg7: memref<!tpu.dma_semaphore, #tpu.memory_space<semaphore_mem>>) attributes {dimension_semantics = [#tpu.dimension_semantics<core_parallel>, #tpu.dimension_semantics<subcore_parallel>], iteration_bounds = array<i64: 2, 16>, scalar_prefetch = 0 : i64, scratch_operands = 3 : i64, tpu.core_type = #tpu.core_type<sc_vector_subcore>, window_params = [{transform_indices = #map}, {transform_indices = #map}, {transform_indices = #map}]} {
    %mul3A = arith.constant 2 : i32
    %mul3A_0 = arith.muli %arg1, %mul3A : i32
    %add3A = arith.addi %mul3A_0, %arg0 : i32
    %mul3A_1 = arith.constant 512 : i32
    %mul3A_2 = arith.muli %add3A, %mul3A_1 : i32
    "tpu.region"() ({
      %run_scoped3A = tpu.sem_alloc : memref<!tpu.dma_semaphore, #tpu.memory_space<semaphore_mem>>
      %dma_start3A_5 = tpu.memref_slice %arg2[%mul3A_2] : memref<16384xi32, #tpu.memory_space<hbm>> -> memref<512xi32, #tpu.memory_space<hbm>>
      %dma_start3A_6 = tpu.memref_slice %arg2[%mul3A_2] : memref<16384xi32, #tpu.memory_space<hbm>> -> memref<512xi32, #tpu.memory_space<hbm>>
      tpu.enqueue_dma source(%dma_start3A_6 : memref<512xi32, #tpu.memory_space<hbm>>) target(%arg5 : memref<512xi32, #tpu.memory_space<vmem>>) target_semaphore(%run_scoped3A : memref<!tpu.dma_semaphore, #tpu.memory_space<semaphore_mem>>)
      %dma_wait3A_7 = tpu.memref_slice %arg2[%mul3A_2] : memref<16384xi32, #tpu.memory_space<hbm>> -> memref<512xi32, #tpu.memory_space<hbm>>
      %dma_wait3A_8 = tpu.memref_slice %arg2[%mul3A_2] : memref<16384xi32, #tpu.memory_space<hbm>> -> memref<512xi32, #tpu.memory_space<hbm>>
      tpu.wait_dma2 semaphore(%run_scoped3A : memref<!tpu.dma_semaphore, #tpu.memory_space<semaphore_mem>>) src(%dma_wait3A_8 : memref<512xi32, #tpu.memory_space<hbm>>) dst(%arg5 : memref<512xi32, #tpu.memory_space<vmem>>)
      tpu.yield
    }) : () -> ()
    %dma_start3A = arith.constant 0 : i32
    %dma_start3A_3 = tpu.memref_slice %arg3[%dma_start3A] : memref<1000000xf32, #tpu.memory_space<hbm>> -> memref<1000000xf32, #tpu.memory_space<hbm>>
    tpu.enqueue_indirect_dma source(%dma_start3A_3 : memref<1000000xf32, #tpu.memory_space<hbm>>) target(%arg6 : memref<512xf32, #tpu.memory_space<vmem>>) offsets(%arg5 : memref<512xi32, #tpu.memory_space<vmem>>) semaphore(%arg7 : memref<!tpu.dma_semaphore, #tpu.memory_space<semaphore_mem>>)
    %dma_wait3A = arith.constant 0 : i32
    %dma_wait3A_4 = tpu.memref_slice %arg3[%dma_wait3A] : memref<1000000xf32, #tpu.memory_space<hbm>> -> memref<1000000xf32, #tpu.memory_space<hbm>>
    tpu.wait_indirect_dma semaphore(%arg7 : memref<!tpu.dma_semaphore, #tpu.memory_space<semaphore_mem>>) src(%dma_wait3A_4 : memref<1000000xf32, #tpu.memory_space<hbm>>) dst(%arg6 : memref<512xf32, #tpu.memory_space<vmem>>)
    "tpu.region"() ({
      %run_scoped3A = tpu.sem_alloc : memref<!tpu.dma_semaphore, #tpu.memory_space<semaphore_mem>>
      %dma_start3A_5 = tpu.memref_slice %arg4[%mul3A_2] : memref<16384xf32, #tpu.memory_space<hbm>> -> memref<512xf32, #tpu.memory_space<hbm>>
      %dma_start3A_6 = tpu.memref_slice %arg4[%mul3A_2] : memref<16384xf32, #tpu.memory_space<hbm>> -> memref<512xf32, #tpu.memory_space<hbm>>
      tpu.enqueue_dma source(%arg6 : memref<512xf32, #tpu.memory_space<vmem>>) target(%dma_start3A_6 : memref<512xf32, #tpu.memory_space<hbm>>) target_semaphore(%run_scoped3A : memref<!tpu.dma_semaphore, #tpu.memory_space<semaphore_mem>>)
      %dma_wait3A_7 = tpu.memref_slice %arg4[%mul3A_2] : memref<16384xf32, #tpu.memory_space<hbm>> -> memref<512xf32, #tpu.memory_space<hbm>>
      %dma_wait3A_8 = tpu.memref_slice %arg4[%mul3A_2] : memref<16384xf32, #tpu.memory_space<hbm>> -> memref<512xf32, #tpu.memory_space<hbm>>
      tpu.wait_dma2 semaphore(%run_scoped3A : memref<!tpu.dma_semaphore, #tpu.memory_space<semaphore_mem>>) src(%arg6 : memref<512xf32, #tpu.memory_space<vmem>>) dst(%dma_wait3A_8 : memref<512xf32, #tpu.memory_space<hbm>>)
      tpu.yield
    }) : () -> ()
    return
  }
}

module attributes {stable_mosaic.version = 14 : i64} {
  func.func @body(%arg0: i32, %arg1: memref<64x8192xf32, #tpu.memory_space<vmem>>, %arg2: memref<2048x128xf32, #tpu.memory_space<vmem>>) attributes {dimension_semantics = [#tpu.dimension_semantics<arbitrary>], iteration_bounds = array<i64: 123>, scalar_prefetch = 0 : i64, scratch_operands = 0 : i64, tpu.core_type = #tpu.core_type<tc>, window_params = [{transform_indices = @transform_0, window_bounds = array<i64: 64, 8192>}, {transform_indices = @transform_1, window_bounds = array<i64: 2048, 128>}]} {
    %get3A = arith.constant 0 : index
    %get3A_0 = arith.constant 0 : index
    %get3A_1 = vector.load %arg1[%get3A, %get3A_0] : memref<64x8192xf32, #tpu.memory_space<vmem>>, vector<64x8192xf32>
    %slice3A = vector.extract_strided_slice %get3A_1 {offsets = [0, 0], sizes = [32, 8192], strides = [1, 1]} : vector<64x8192xf32> to vector<32x8192xf32>
    %convert_element_type3A = arith.truncf %slice3A : vector<32x8192xf32> to vector<32x8192xbf16>
    %bitcast_convert_type3A = tpu.bitcast %convert_element_type3A : vector<32x8192xbf16> -> vector<32x8192xi16>
    %convert_element_type3A_2 = arith.extui %bitcast_convert_type3A : vector<32x8192xi16> to vector<32x8192xi32>
    %slice3A_3 = vector.extract_strided_slice %get3A_1 {offsets = [32, 0], sizes = [32, 8192], strides = [1, 1]} : vector<64x8192xf32> to vector<32x8192xf32>
    %convert_element_type3A_4 = arith.truncf %slice3A_3 : vector<32x8192xf32> to vector<32x8192xbf16>
    %bitcast_convert_type3A_5 = tpu.bitcast %convert_element_type3A_4 : vector<32x8192xbf16> -> vector<32x8192xi16>
    %convert_element_type3A_6 = arith.extui %bitcast_convert_type3A_5 : vector<32x8192xi16> to vector<32x8192xi32>
    %shift_left3A = arith.constant 16 : i32
    %shift_left3A_7 = vector.broadcast %shift_left3A : i32 to vector<32x8192xi32>
    %shift_left3A_8 = arith.shli %convert_element_type3A_6, %shift_left3A_7 : vector<32x8192xi32>
    %or3A = arith.ori %shift_left3A_8, %convert_element_type3A_2 : vector<32x8192xi32>
    %bitcast_convert_type3A_9 = tpu.bitcast %or3A : vector<32x8192xi32> -> vector<32x8192xf32>
    %slice3A_10 = vector.extract_strided_slice %bitcast_convert_type3A_9 {offsets = [0, 0], sizes = [32, 2048], strides = [1, 1]} : vector<32x8192xf32> to vector<32x2048xf32>
    %transpose3A = tpu.transpose %slice3A_10, [1, 0] : vector<32x2048xf32> -> vector<2048x32xf32>
    %slice3A_11 = vector.extract_strided_slice %bitcast_convert_type3A_9 {offsets = [0, 2048], sizes = [32, 2048], strides = [1, 1]} : vector<32x8192xf32> to vector<32x2048xf32>
    %transpose3A_12 = tpu.transpose %slice3A_11, [1, 0] : vector<32x2048xf32> -> vector<2048x32xf32>
    %slice3A_13 = vector.extract_strided_slice %bitcast_convert_type3A_9 {offsets = [0, 4096], sizes = [32, 2048], strides = [1, 1]} : vector<32x8192xf32> to vector<32x2048xf32>
    %transpose3A_14 = tpu.transpose %slice3A_13, [1, 0] : vector<32x2048xf32> -> vector<2048x32xf32>
    %slice3A_15 = vector.extract_strided_slice %bitcast_convert_type3A_9 {offsets = [0, 6144], sizes = [32, 2048], strides = [1, 1]} : vector<32x8192xf32> to vector<32x2048xf32>
    %transpose3A_16 = tpu.transpose %slice3A_15, [1, 0] : vector<32x2048xf32> -> vector<2048x32xf32>
    %concatenate3A = tpu.concatenate %transpose3A, %transpose3A_12, %transpose3A_14, %transpose3A_16 in 1 : vector<2048x32xf32>, vector<2048x32xf32>, vector<2048x32xf32>, vector<2048x32xf32> -> vector<2048x128xf32>
    %swap3A = arith.constant 0 : index
    %swap3A_17 = arith.constant 0 : index
    %swap3A_18 = vector.load %arg2[%swap3A, %swap3A_17] : memref<2048x128xf32, #tpu.memory_space<vmem>>, vector<2048x128xf32>
    tpu.vector_store %arg2[%swap3A, %swap3A_17], %concatenate3A {strides = array<i32>} : memref<2048x128xf32, #tpu.memory_space<vmem>>, vector<2048x128xf32>,
    return
  }
  func.func @transform_0(%arg0: i32) -> (i32, i32) {
    %c0_i32 = arith.constant 0 : i32
    %c0_i32_0 = arith.constant 0 : i32
    return %c0_i32, %arg0 : i32, i32
  }
  func.func @transform_1(%arg0: i32) -> (i32, i32) {
    %c0_i32 = arith.constant 0 : i32
    %c0_i32_0 = arith.constant 0 : i32
    return %arg0, %c0_i32 : i32, i32
  }
}

module attributes {stable_mosaic.version = 14 : i64} {
  func.func @body(%arg0: i32, %arg1: memref<2048x128xf32, #tpu.memory_space<vmem>>, %arg2: memref<2048x4xf32, #tpu.memory_space<vmem>>, %arg3: memref<16x2048xf32, #tpu.memory_space<vmem>>, %arg4: memref<16x2048xf32, #tpu.memory_space<vmem>>, %arg5: memref<16x2048xf32, #tpu.memory_space<vmem>>, %arg6: memref<16x2048xf32, #tpu.memory_space<vmem>>, %arg7: memref<128x128xf32, #tpu.memory_space<vmem>>, %arg8: memref<1x128xf32, #tpu.memory_space<vmem>>, %arg9: memref<2048x128xf32, #tpu.memory_space<vmem>>) attributes {dimension_semantics = [#tpu.dimension_semantics<arbitrary>], iteration_bounds = array<i64: 8>, scalar_prefetch = 0 : i64, scratch_operands = 0 : i64, tpu.core_type = #tpu.core_type<tc>, window_params = [{transform_indices = @transform_0, window_bounds = array<i64: 2048, 128>}, {transform_indices = @transform_1, window_bounds = array<i64: 2048, 4>}, {transform_indices = @transform_2, window_bounds = array<i64: 16, 2048>}, {transform_indices = @transform_3, window_bounds = array<i64: 16, 2048>}, {transform_indices = @transform_4, window_bounds = array<i64: 16, 2048>}, {transform_indices = @transform_5, window_bounds = array<i64: 16, 2048>}, {pipeline_mode = #tpu.pipeline_mode<synchronous>, transform_indices = @transform_6, window_bounds = array<i64: 128, 128>}, {pipeline_mode = #tpu.pipeline_mode<synchronous>, transform_indices = @transform_7, window_bounds = array<i64: 1, 128>}, {transform_indices = @transform_8, window_bounds = array<i64: 2048, 128>}]} {
    %get3A = arith.constant 0 : index
    %get3A_0 = arith.constant 0 : index
    %get3A_1 = vector.load %arg1[%get3A, %get3A_0] : memref<2048x128xf32, #tpu.memory_space<vmem>>, vector<2048x128xf32>
    %bitcast_convert_type3A = tpu.bitcast %get3A_1 : vector<2048x128xf32> -> vector<2048x128xi32>
    %get3A_2 = arith.constant 0 : index
    %get3A_3 = arith.constant 0 : index
    %get3A_4 = vector.load %arg2[%get3A_2, %get3A_3] : memref<2048x4xf32, #tpu.memory_space<vmem>>, vector<2048x4xf32>
    %slice3A = vector.extract_strided_slice %get3A_4 {offsets = [0, 0], sizes = [2048, 1], strides = [1, 1]} : vector<2048x4xf32> to vector<2048x1xf32>
    %gt3A = arith.constant 5.000000e-01 : f32
    %gt3A_5 = vector.broadcast %gt3A : f32 to vector<2048x1xf32>
    %gt3A_6 = arith.cmpf ogt, %slice3A, %gt3A_5 : vector<2048x1xf32>
    %slice3A_7 = vector.extract_strided_slice %bitcast_convert_type3A {offsets = [0, 0], sizes = [2048, 32], strides = [1, 1]} : vector<2048x128xi32> to vector<2048x32xi32>
    %slice3A_8 = vector.extract_strided_slice %get3A_4 {offsets = [0, 1], sizes = [2048, 1], strides = [1, 1]} : vector<2048x4xf32> to vector<2048x1xf32>
    %gt3A_9 = arith.constant 5.000000e-01 : f32
    %gt3A_10 = vector.broadcast %gt3A_9 : f32 to vector<2048x1xf32>
    %gt3A_11 = arith.cmpf ogt, %slice3A_8, %gt3A_10 : vector<2048x1xf32>
    %slice3A_12 = vector.extract_strided_slice %bitcast_convert_type3A {offsets = [0, 32], sizes = [2048, 32], strides = [1, 1]} : vector<2048x128xi32> to vector<2048x32xi32>
    %slice3A_13 = vector.extract_strided_slice %get3A_4 {offsets = [0, 2], sizes = [2048, 1], strides = [1, 1]} : vector<2048x4xf32> to vector<2048x1xf32>
    %gt3A_14 = arith.constant 5.000000e-01 : f32
    %gt3A_15 = vector.broadcast %gt3A_14 : f32 to vector<2048x1xf32>
    %gt3A_16 = arith.cmpf ogt, %slice3A_13, %gt3A_15 : vector<2048x1xf32>
    %slice3A_17 = vector.extract_strided_slice %bitcast_convert_type3A {offsets = [0, 64], sizes = [2048, 32], strides = [1, 1]} : vector<2048x128xi32> to vector<2048x32xi32>
    %slice3A_18 = vector.extract_strided_slice %bitcast_convert_type3A {offsets = [0, 96], sizes = [2048, 32], strides = [1, 1]} : vector<2048x128xi32> to vector<2048x32xi32>
    %broadcast_in_dim3A = vector.shape_cast %gt3A_16 : vector<2048x1xi1> to vector<2048x1xi1>
    %broadcast_in_dim3A_19 = vector.broadcast %broadcast_in_dim3A : vector<2048x1xi1> to vector<2048x32xi1>
    %select_n3A = arith.select %broadcast_in_dim3A_19, %slice3A_17, %slice3A_18 : vector<2048x32xi1>, vector<2048x32xi32>
    %broadcast_in_dim3A_20 = vector.shape_cast %gt3A_11 : vector<2048x1xi1> to vector<2048x1xi1>
    %broadcast_in_dim3A_21 = vector.broadcast %broadcast_in_dim3A_20 : vector<2048x1xi1> to vector<2048x32xi1>
    %select_n3A_22 = arith.select %broadcast_in_dim3A_21, %slice3A_12, %select_n3A : vector<2048x32xi1>, vector<2048x32xi32>
    %broadcast_in_dim3A_23 = vector.shape_cast %gt3A_6 : vector<2048x1xi1> to vector<2048x1xi1>
    %broadcast_in_dim3A_24 = vector.broadcast %broadcast_in_dim3A_23 : vector<2048x1xi1> to vector<2048x32xi1>
    %select_n3A_25 = arith.select %broadcast_in_dim3A_24, %slice3A_7, %select_n3A_22 : vector<2048x32xi1>, vector<2048x32xi32>
    %and3A = arith.constant 65535 : i32
    %and3A_26 = vector.broadcast %and3A : i32 to vector<2048x32xi32>
    %and3A_27 = arith.andi %select_n3A_25, %and3A_26 : vector<2048x32xi32>
    %convert_element_type3A = arith.trunci %and3A_27 : vector<2048x32xi32> to vector<2048x32xi16>
    %bitcast_convert_type3A_28 = tpu.bitcast %convert_element_type3A : vector<2048x32xi16> -> vector<2048x32xbf16>
    %convert_element_type3A_29 = arith.extf %bitcast_convert_type3A_28 : vector<2048x32xbf16> to vector<2048x32xf32>
    %shift_right_logical3A = arith.constant 16 : i32
    %shift_right_logical3A_30 = vector.broadcast %shift_right_logical3A : i32 to vector<2048x32xi32>
    %shift_right_logical3A_31 = arith.shrui %select_n3A_25, %shift_right_logical3A_30 : vector<2048x32xi32>
    %convert_element_type3A_32 = arith.trunci %shift_right_logical3A_31 : vector<2048x32xi32> to vector<2048x32xi16>
    %bitcast_convert_type3A_33 = tpu.bitcast %convert_element_type3A_32 : vector<2048x32xi16> -> vector<2048x32xbf16>
    %convert_element_type3A_34 = arith.extf %bitcast_convert_type3A_33 : vector<2048x32xbf16> to vector<2048x32xf32>
    %concatenate3A = tpu.concatenate %convert_element_type3A_29, %convert_element_type3A_34 in 1 : vector<2048x32xf32>, vector<2048x32xf32> -> vector<2048x64xf32>
    %max3A = arith.constant 0.000000e+00 : f32
    %max3A_35 = vector.broadcast %max3A : f32 to vector<2048x64xf32>
    %max3A_36 = arith.maximumf %concatenate3A, %max3A_35 : vector<2048x64xf32>
    %get3A_37 = arith.constant 0 : index
    %get3A_38 = arith.constant 0 : index
    %get3A_39 = vector.load %arg7[%get3A_37, %get3A_38] : memref<128x128xf32, #tpu.memory_space<vmem>>, vector<128x128xf32>
    %slice3A_40 = vector.extract_strided_slice %get3A_39 {offsets = [0, 0], sizes = [128, 64], strides = [1, 1]} : vector<128x128xf32> to vector<128x64xf32>
    %dot_general3A = arith.constant dense<0.000000e+00> : vector<2048x128xf32>
    %dot_general3A_41 = tpu.matmul %max3A_36, %slice3A_40, %dot_general3A {dimension_numbers = #tpu.dot_dimension_numbers<[1], [1], [0], [0], [0, 0, 1, 0], [], []>, transpose_lhs_hint = false} : vector<2048x64xf32>, vector<128x64xf32>, vector<2048x128xf32> -> vector<2048x128xf32>
    %get3A_42 = arith.constant 0 : index
    %get3A_43 = arith.constant 0 : index
    %get3A_44 = vector.load %arg3[%get3A_42, %get3A_43] : memref<16x2048xf32, #tpu.memory_space<vmem>>, vector<16x2048xf32>
    %get3A_45 = arith.constant 0 : index
    %get3A_46 = arith.constant 0 : index
    %get3A_47 = vector.load %arg4[%get3A_45, %get3A_46] : memref<16x2048xf32, #tpu.memory_space<vmem>>, vector<16x2048xf32>
    %get3A_48 = arith.constant 0 : index
    %get3A_49 = arith.constant 0 : index
    %get3A_50 = vector.load %arg5[%get3A_48, %get3A_49] : memref<16x2048xf32, #tpu.memory_space<vmem>>, vector<16x2048xf32>
    %get3A_51 = arith.constant 0 : index
    %get3A_52 = arith.constant 0 : index
    %get3A_53 = vector.load %arg6[%get3A_51, %get3A_52] : memref<16x2048xf32, #tpu.memory_space<vmem>>, vector<16x2048xf32>
    %concatenate3A_54 = tpu.concatenate %get3A_44, %get3A_47, %get3A_50, %get3A_53 in 0 : vector<16x2048xf32>, vector<16x2048xf32>, vector<16x2048xf32>, vector<16x2048xf32> -> vector<64x2048xf32>
    %max3A_55 = arith.constant 0.000000e+00 : f32
    %max3A_56 = vector.broadcast %max3A_55 : f32 to vector<64x2048xf32>
    %max3A_57 = arith.maximumf %concatenate3A_54, %max3A_56 : vector<64x2048xf32>
    %slice3A_58 = vector.extract_strided_slice %get3A_39 {offsets = [0, 64], sizes = [128, 64], strides = [1, 1]} : vector<128x128xf32> to vector<128x64xf32>
    %dot_general3A_59 = arith.constant dense<0.000000e+00> : vector<2048x128xf32>
    %dot_general3A_60 = tpu.matmul %max3A_57, %slice3A_58, %dot_general3A_59 {dimension_numbers = #tpu.dot_dimension_numbers<[0], [1], [1], [0], [0, 1, 1, 0], [], []>, transpose_lhs_hint = false} : vector<64x2048xf32>, vector<128x64xf32>, vector<2048x128xf32> -> vector<2048x128xf32>
    %add3A = arith.addf %dot_general3A_41, %dot_general3A_60 : vector<2048x128xf32>
    %get3A_61 = arith.constant 0 : index
    %get3A_62 = arith.constant 0 : index
    %get3A_63 = vector.load %arg8[%get3A_61, %get3A_62] : memref<1x128xf32, #tpu.memory_space<vmem>>, vector<1x128xf32>
    %add3A_64 = vector.broadcast %get3A_63 : vector<1x128xf32> to vector<2048x128xf32>
    %add3A_65 = arith.addf %add3A, %add3A_64 : vector<2048x128xf32>
    %swap3A = arith.constant 0 : index
    %swap3A_66 = arith.constant 0 : index
    %swap3A_67 = vector.load %arg9[%swap3A, %swap3A_66] : memref<2048x128xf32, #tpu.memory_space<vmem>>, vector<2048x128xf32>
    tpu.vector_store %arg9[%swap3A, %swap3A_66], %add3A_65 {strides = array<i32>} : memref<2048x128xf32, #tpu.memory_space<vmem>>, vector<2048x128xf32>,
    return
  }
  func.func @transform_0(%arg0: i32) -> (i32, i32) {
    %c0_i32 = arith.constant 0 : i32
    %c0_i32_0 = arith.constant 0 : i32
    return %arg0, %c0_i32 : i32, i32
  }
  func.func @transform_1(%arg0: i32) -> (i32, i32) {
    %c0_i32 = arith.constant 0 : i32
    %c0_i32_0 = arith.constant 0 : i32
    return %arg0, %c0_i32 : i32, i32
  }
  func.func @transform_2(%arg0: i32) -> (i32, i32) {
    %c0_i32 = arith.constant 0 : i32
    %c0_i32_0 = arith.constant 0 : i32
    return %c0_i32, %arg0 : i32, i32
  }
  func.func @transform_3(%arg0: i32) -> (i32, i32) {
    %c0_i32 = arith.constant 0 : i32
    %c0_i32_0 = arith.constant 0 : i32
    return %c0_i32, %arg0 : i32, i32
  }
  func.func @transform_4(%arg0: i32) -> (i32, i32) {
    %c0_i32 = arith.constant 0 : i32
    %c0_i32_0 = arith.constant 0 : i32
    return %c0_i32, %arg0 : i32, i32
  }
  func.func @transform_5(%arg0: i32) -> (i32, i32) {
    %c0_i32 = arith.constant 0 : i32
    %c0_i32_0 = arith.constant 0 : i32
    return %c0_i32, %arg0 : i32, i32
  }
  func.func @transform_6(%arg0: i32) -> (i32, i32) {
    %c0_i32 = arith.constant 0 : i32
    %c0_i32_0 = arith.constant 0 : i32
    %c0_i32_1 = arith.constant 0 : i32
    return %c0_i32, %c0_i32_0 : i32, i32
  }
  func.func @transform_7(%arg0: i32) -> (i32, i32) {
    %c0_i32 = arith.constant 0 : i32
    %c0_i32_0 = arith.constant 0 : i32
    %c0_i32_1 = arith.constant 0 : i32
    return %c0_i32, %c0_i32_0 : i32, i32
  }
  func.func @transform_8(%arg0: i32) -> (i32, i32) {
    %c0_i32 = arith.constant 0 : i32
    %c0_i32_0 = arith.constant 0 : i32
    return %arg0, %c0_i32 : i32, i32
  }
}

</mosaic_0001>

<sc_bundles>
// kernel: kernel.6.cloned.1.call-start
scs
__scs_entry_jumppad:
0x0: {  	(pc) =	sbr.rel $0x88, $3  }
0x1: {  	(tag) =	ssettag $0x0;
	lr =	simm.s32 $0x1  }
0x2: {  	[smem:$0x3F94] =	sst lr;
	_ =	strace $0xD0000000  }
0x3: {  	_ = 	snop  }
0x4: {  	_ = 	snop  }
0x5: {  	_ = 	snop  }
0x6: {  	_ = 	snop  }
0x7: {  	_ = 	snop  }
__scs_overlays_trampoline_lowered:
0x8: {  	[smem:$0x3FA3] =	sst s0  }
0x9: {  	[smem:$0x3FA4] =	sst s1  }
0xa: {  	[smem:$0x3FA5] =	sst s2  }
0xb: {  	[smem:$0x3FA6] =	sst s3  }
0xc: {  	[smem:$0x3FA7] =	sst s4  }
0xd: {  	[smem:$0x3FA8] =	sst s5  }
0xe: {  	[smem:$0x3FA9] =	sst s6  }
0xf: {  	[smem:$0x3FAA] =	sst s7  }
0x10: {  	[smem:$0x3FAB] =	sst s8  }
0x11: {  	[smem:$0x3FAC] =	sst s9;
	s0 =	simm.s32 @!p0 $0x0  }
0x12: {  	s1 =	sld [smem:$0x3F92];
	s0 =	simm.s32 @p0 $0x1  }
0x13: {  	[smem:$0x3FAD] =	sst s0;
	s0 =	simm.s32 @!p1 $0x0  }
0x14: {  	s2 =	sld [smem:$0x3F91];
	s0 =	simm.s32 @p1 $0x1  }
0x15: {  	[smem:$0x3FAE] =	sst s0;
	s0 =	simm.s32 @!p2 $0x0  }
0x16: {  	s3 =	sld [smem:$0x3FDB];
	s0 =	simm.s32 @p2 $0x1  }
0x17: {  	s4 =	simm.s32 $0x1BF5;
	[smem:$0x3FB0] =	sst s0  }
0x18: {  	s0 =	sld [smem:$0x3F93];
	_ =	swait.ge [sflag:s4], $0x0  }
0x19: {  	s7 =	sld [smem:$0x3F94]  }
0x1a: {  	s8 =	sadd.s32 $0xFFFFE003, lr  }
0x1b: {  	s9 =	sadd.s32 $0xFFFFFEF7, lr;
	s5 =	simm.s32 $0xFFFFFFFF;
	p2 =	slt.u32 s8, $0xFFFFF086  }
0x1c: {  	p1 =	slt.u32 s9, $0xF7A;
	s5 =	simm.s32 @!p2 $0x0  }
0x1d: {  	s5 =	simm.s32 @p1 $0x1;
	p0 =	seq.s32 s7, s2  }
0x1e: {  	s7 =	smul.u32 @!p0 $0xF7A, s2;
	p2 =	seq.s32 @!p0 s5, $0x0  }
0x1f: {  	s9 =	smul.u32 $0xF7A, s1;
	s8 =	simm.s32 @!p0 $0x1BF5;
	p2 =	por !p2, p0  }
0x20: {  	[sflag:s8] =	ssyncset.s32 @!p0 $0xFFFFF086;
	s6 =	sadd.s32 @!p0 s3, s7;
	s7 =	simm.s32 @!p0 $0x108  }
0x21: {  	s3 =	sadd.s32 s3, s9;
	s6 =	sadd.s32 @!p0 $0x88, s6;
	s7 =	simm.s32 @p2 $0x1082  }
0x22: {  	[simem:s7], [sflag:s8] =	dma.local @!p0 [hbm:s6], $0xF7A  }
0x23: {  	s9 =	sor.u32 $0xD0000000, s2;
	s6 =	simm.s32 $0x108;
	_ =	swait.ge @!p0 [sflag:s8], $0x0  }
0x24: {  	s3 =	sadd.s32 $0x88, s3;
	s6 =	simm.s32 @!p1 $0x1082;
	[sflag:s4] =	ssyncset.s32 $0xFFFFF086  }
0x25: {  	[simem:s6], [sflag:s4] =	dma.local [hbm:s3], $0xF7A  }
0x26: {  	[smem:$0x3F94] =	sst s1;
	(tag) =	ssettag s2;
	_ =	strace s9  }
0x27: {  	s1 =	sld [smem:$0x3FA4]  }
0x28: {  	s2 =	sld [smem:$0x3FA5]  }
0x29: {  	s4 =	sld [smem:$0x3FA7]  }
0x2a: {  	p0 =	seq.s32 s5, $0x0;
	s5 =	sld [smem:$0x3FA8]  }
0x2b: {  	s6 =	sld [smem:$0x3FA9]  }
0x2c: {  	s7 =	sld [smem:$0x3FAA]  }
0x2d: {  	s3 =	simm.s32 $0x108;
	s8 =	sld [smem:$0x3FAB]  }
0x2e: {  	s3 =	simm.s32 @!p0 $0x1082;
	s9 =	sld [smem:$0x3FAC]  }
0x2f: {  	lr =	sadd.s32 s0, s3;
	s0 =	sld [smem:$0x3FA3]  }
0x30: {  	s3 =	sld [smem:$0x3FA6]  }
0x31: {  	[smem:$0x3FAF] =	sst s10  }
0x32: {  	s10 =	sld [smem:$0x3FAD];
	_ =	sdelay $0x3  }
0x33: {  	p0 =	seq.s32 s10, $0x1;
	s10 =	sld [smem:$0x3FAF];
	_ =	sdelay $0x3  }
0x34: {  	[smem:$0x3FAF] =	sst s10  }
0x35: {  	s10 =	sld [smem:$0x3FAE];
	_ =	sdelay $0x3  }
0x36: {  	p1 =	seq.s32 s10, $0x1;
	s10 =	sld [smem:$0x3FAF];
	_ =	sdelay $0x3  }
0x37: {  	[smem:$0x3FAF] =	sst s10  }
0x38: {  	s10 =	sld [smem:$0x3FB0]  }
0x39: {  	_ = 	snop;
	(pc) =	sbr.ind lr, $3  }
0x3a: {  	_ = 	snop  }
0x3b: {  	_ = 	snop  }
0x3c: {  	p2 =	seq.s32 s10, $0x1;
	s10 =	sld [smem:$0x3FAF]  }
0x3d: {  	_ =	shalt  }
0x3e: {  	_ =	shalt  }
0x3f: {  	_ =	shalt  }
0x40: {  	_ =	shalt  }
0x41: {  	_ =	shalt  }
0x42: {  	_ =	shalt  }
0x43: {  	_ =	shalt  }
0x44: {  	_ =	shalt  }
0x45: {  	_ =	shalt  }
0x46: {  	_ =	shalt  }
0x47: {  	_ =	shalt  }
0x48: {  	_ =	shalt  }
0x49: {  	_ =	shalt  }
0x4a: {  	_ =	shalt  }
0x4b: {  	_ =	shalt  }
0x4c: {  	_ =	shalt  }
0x4d: {  	_ =	shalt  }
0x4e: {  	_ =	shalt  }
0x4f: {  	_ =	shalt  }
0x50: {  	_ =	shalt  }
0x51: {  	_ =	shalt  }
0x52: {  	_ =	shalt  }
0x53: {  	_ =	shalt  }
0x54: {  	_ =	shalt  }
0x55: {  	_ =	shalt  }
0x56: {  	_ =	shalt  }
0x57: {  	_ =	shalt  }
0x58: {  	_ =	shalt  }
0x59: {  	_ =	shalt  }
0x5a: {  	_ =	shalt  }
0x5b: {  	_ =	shalt  }
0x5c: {  	_ =	shalt  }
0x5d: {  	_ =	shalt  }
0x5e: {  	_ =	shalt  }
0x5f: {  	_ =	shalt  }
0x60: {  	_ =	shalt  }
0x61: {  	_ =	shalt  }
0x62: {  	_ =	shalt  }
0x63: {  	_ =	shalt  }
0x64: {  	_ =	shalt  }
0x65: {  	_ =	shalt  }
0x66: {  	_ =	shalt  }
0x67: {  	_ =	shalt  }
0x68: {  	_ =	shalt  }
0x69: {  	_ =	shalt  }
0x6a: {  	_ =	shalt  }
0x6b: {  	_ =	shalt  }
0x6c: {  	_ =	shalt  }
0x6d: {  	_ =	shalt  }
0x6e: {  	_ =	shalt  }
0x6f: {  	_ =	shalt  }
0x70: {  	_ =	shalt  }
0x71: {  	_ =	shalt  }
0x72: {  	_ =	shalt  }
0x73: {  	_ =	shalt  }
0x74: {  	_ =	shalt  }
0x75: {  	_ =	shalt  }
0x76: {  	_ =	shalt  }
0x77: {  	_ =	shalt  }
0x78: {  	_ =	shalt  }
0x79: {  	_ =	shalt  }
0x7a: {  	_ =	shalt  }
0x7b: {  	_ =	shalt  }
0x7c: {  	_ =	shalt  }
0x7d: {  	_ =	shalt  }
0x7e: {  	_ =	shalt  }
0x7f: {  	_ =	shalt  }
0x80: {  	_ =	shalt  }
0x81: {  	_ =	shalt  }
0x82: {  	_ =	shalt  }
0x83: {  	_ =	shalt  }
0x84: {  	_ =	shalt  }
0x85: {  	_ =	shalt  }
0x86: {  	_ =	shalt  }
0x87: {  	_ =	shalt  }
.Lfunc_end0:
.L_simem_size_0:
called_computation_lowered:
.L_overlay_start_0:
0x88: {  	s2 =	sld [smem:$0x3FD9]  }
0x89: {  	s3 =	sld [smem:$0x3FFE];
	_ =	sdelay $0x1  }
0x8a: {  	s1 =	srdreg.scid  }
0x8b: {  	s0 =	sand.u32 $0x1, s1  }
0x8c: {  	s15 =	sshll.u32 s0, $0xA;
	s2 =	sadd.s32 s3, s2  }
0x8d: {  	s2 =	sadd.s32 s2, s15  }
0x8e: {  	[smem:$0x3FBB] =	sst s2  }
0x8f: {  	_ = 	snop  }
0x90: {  	s16 =	sld [smem:$0x3FD0];
	_ =	sdelay $0x2  }
0x91: {  	s4 =	simm.s32 $0xB;
	s5 =	simm.s32 $0x10;
	s2 =	sld [smem:$0x3FC9]  }
0x92: {  	[smem:s5], [sflag:s4] =	dma.local [hbm:s16], $0x1  }
0x93: {  	_ =	swait.eq [sflag:s4], $0x1  }
0x94: {  	[sflag:s4] =	ssyncset.done $0x0  }
0x95: {  	[sflag:s4] =	ssyncadd.s32 $0xFFFFFFFF  }
0x96: {  	s17 =	sld [smem:$0x11];
	(tm) =	ssettm $0x1  }
0x97: {  	s18 =	sld [smem:$0x3FFB];
	_ =	sdelay $0x3  }
0x98: {  	_ =	strace s18  }
0x99: {  	s3 =	sld [smem:$0x3FFC];
	_ =	sdelay $0x3  }
0x9a: {  	_ =	strace s3  }
0x9b: {  	s3 =	sld [smem:$0x3FFD];
	_ =	sdelay $0x3  }
0x9c: {  	_ =	strace s3  }
0x9d: {  	_ =	strace $0x8FFFFFFF  }
0x9e: {  	s19 =	sld [smem:$0x3FDB];
	_ =	sdelay $0x1  }
0x9f: {  	s20 =	simm.s32 $_scs_section_size  }
0xa0: {  	s6 =	simm.s32 $_size__tile_overlayer_lowered;
	s7 =	simm.s32 $_tile_overlayer_lowered  }
0xa1: {  	s8 =	simm.s32 $0x1BFF;
	s21 =	sshll.u32 s7, $0x1;
	s5 =	sadd.s32 s20, s19  }
0xa2: {  	s22 =	simm.s32 $0x0;
	s6 =	sshll.u32 s6, $0x1;
	s7 =	sadd.s32 s21, s5  }
0xa3: {  	[timem:s22], [sflag:s8] =	dma.local [hbm:s7], s6  }
0xa4: {  	_ =	swait.ge [sflag:s8], s6  }
0xa5: {  	s6 =	ssub.s32 $0x0, s6;
	[sflag:s8] =	ssyncset.done $0x0  }
0xa6: {  	[sflag:s8] =	ssyncadd.s32 s6;
	_ =	sdelay $0x1  }
0xa7: {  	s23 =	simm.s32 $0x1B8B  }
0xa8: {  	_ =	swait.ge [sflag:s23], $0x1  }
0xa9: {  	[sflag:s23] =	ssyncset.done $0x0  }
0xaa: {  	[sflag:s23] =	ssyncadd.s32 $0xFFFFFFFF  }
0xab: {  	s6 =	sld [smem:$0x0]  }
0xac: {  	s7 =	sand.u32 $0xFFFFFFFE, s1  }
0xad: {  	p0 =	sne.s32 s1, s7  }
0xae: {  	s7 =	sshll.u32 @p0 s7, $0xE  }
0xaf: {  	s7 =	sadd.s32 @p0 $0x11B8D, s7;
	s8 =	sshll.u32 @p0 s6, $0x11  }
0xb0: {  	s7 =	sor.u32 @p0 s8, s7  }
0xb1: {  	[sflag:s7] =	ssyncadd.remote.s32 @p0 $0x1;
	_ =	sdelay $0x1  }
0xb2: {  	s7 =	simm.s32 @p0 $0x1B8D  }
0xb3: {  	_ =	swait.eq @p0 [sflag:s7], $0x1  }
0xb4: {  	[sflag:s7] =	ssyncadd.s32 @p0 $0xFFFFFFFF  }
0xb5: {  	s8 =	sshll.u32 @!p0 s1, $0xE  }
0xb6: {  	s8 =	sor.u32 @!p0 $0x4000, s8;
	s7 =	simm.s32 @!p0 $0x1B8D  }
0xb7: {  	s6 =	sshll.u32 @!p0 s6, $0x11;
	s8 =	sadd.s32 @!p0 $0x11B8D, s8;
	_ =	swait.eq @!p0 [sflag:s7], $0x1  }
0xb8: {  	s6 =	sor.u32 @!p0 s6, s8;
	[sflag:s7] =	ssyncadd.s32 @!p0 $0xFFFFFFFF  }
0xb9: {  	s25 =	simm.s32 $0x1B8E;
	s24 =	sld [smem:$0x3FFE];
	[sflag:s6] =	ssyncadd.remote.s32 @!p0 $0x1  }
0xba: {  	s26 =	simm.s32 $execute0_lowered;
	[smem:$0x3FD2] =	sst s25  }
0xbb: {  	s7 =	sshll.u32 s26, $0x1;
	_ =	strace $0x80000049;
	[dreg:$0x1] =	wrdreg $0xFFFFFFFF  }
0xbc: {  	s28 =	simm.s32 $_size_execute0_lowered;
	s5 =	sadd.s32 s5, s7;
	[dreg:$0x0] =	wrdreg $0x0  }
0xbd: {  	s7 =	sshll.u32 s28, $0x1;
	[dreg:$0x2] =	wrdreg s5  }
0xbe: {  	[dreg:$0x3] =	wrdreg s7  }
0xbf: {  	[dreg:$0x4] =	wrdreg $0xC0  }
0xc0: {  	_ =	task [dreg:s22], $0x5FFFF  }
0xc1: {  	[dreg:$0x1] =	wrdreg $0xFFFFFFFF  }
0xc2: {  	[dreg:$0x0] =	wrdreg $0x60  }
0xc3: {  	[dreg:$0x2] =	wrdreg s2  }
0xc4: {  	[dreg:$0x3] =	wrdreg s24  }
0xc5: {  	[dreg:$0x4] =	wrdreg s17  }
0xc6: {  	[dreg:$0x5] =	wrdreg $0x9  }
0xc7: {  	_ =	task.clear_ibuf [dreg:s22], $0x6FFFF;
	_ =	strace $0x90000049  }
0xc8: {  	s29 =	simm.s32 $0x9;
	_ =	strace $0x8000004B  }
0xc9: {  	_ =	swait.ge [sflag:s29], $0x1  }
0xca: {  	[sflag:s29] =	ssyncadd.s32 $0xFFFFFFFF  }
0xcb: {  	_ =	strace $0x9000004B  }
0xcc: {  	_ =	sfence  }
0xcd: {  	s30 =	sld [smem:$0x0];
	_ =	sdelay $0x2  }
0xce: {  	s31 =	sshll.u32 s1, $0xD;
	s1 =	sshrl.u32 s1, $0x2  }
0xcf: {  	s4 =	sand.u32 $0x4000, s31;
	s1 =	sadd.s32 s1, s30  }
0xd0: {  	s0 =	sor.u32 s4, s0;
	s1 =	sshll.u32 s1, $0x11  }
0xd1: {  	s0 =	sor.u32 s1, s0  }
0xd2: {  	s0 =	sadd.s32 $0x8F2B, s0  }
0xd3: {  	[sflag:s0] =	ssyncadd.remote.s32 $0x1  }
0xd4: {  	_ =	sfence.sel $0xFFFF  }
0xd5: {  	[dreg:$0x0] =	wrdreg $0xFFFFFFFF;
	(pc) =	sbr.abs _section_cstart, $3  }
0xd6: {  	[dreg:$0x1] =	wrdreg $0xFFFFFFFF  }
0xd7: {  	_ =	task.clear_ibuf [dreg:s22], $0x2FFFF;
	_ =	strace $0x9FFFFFFF  }
0xd8: {  	(tm) =	ssettm $0x7FFFFFFF  }
0xd9: {  	_ =	shalt  }
tec
execute0_lowered:
.L_overlay_start_1:
0x0: {  	(tag) =	ssettag $0x1  }
0x1: {  	s3 =	rddreg [dreg:$0x0]  }
0x2: {  	s5 =	rddreg [dreg:$0x1]  }
0x3: {  	s8 =	rddreg [dreg:$0x2];
	s2 =	srdreg.scid  }
0x4: {  	s0 =	rddreg [dreg:$0x3];
	s1 =	stileid.u32;
	s6 =	sand.u32 $0x1, s2  }
0x5: {  	s2 =	simm.s32 $0x0;
	s4 =	sshll.u32 s1, $0x7;
	s7 =	sshll.u32 s6, $0x6  }
0x6: {  	[smem:$0x7FF] =	sst s2;
	s10 =	ssub.s32 $0x2, s6;
	s9 =	sor.u32 s7, s4  }
0x7: {  	_ =	strace $0x8000004A;
	s4 =	sadd.s32 s3, s9;
	s3 =	simm.s32 $0x2  }
0x8: {  	[tilespmem:s2], [sflag:$0x2] =	stream.linear.gather [hbm4b:s4+s2], $0x200, $0x38;
	[tilespmem:$0x400] =	vst v63  }
0x9: {  	s5 =	sadd.s32 $0x3FB400, s5;
	s11 =	sshrl.u32 s10, $0x1;
	_ =	swait.ge [sflag:s3], $0x200  }
0xa: {  	s6 =	simm.s32 $0x200;
	s10 =	ssub.s32 s10, s11;
	[sflag:s3] =	ssyncset.done $0x0  }
0xb: {  	s7 =	simm.s32 $0x1;
	s31 =	smax.u32 s10, $0x1;
	[sflag:s3] =	ssyncadd.s32 $0xFFFFFE00  }
0xc: {  	[tilespmem:s6], [sflag:$0x1] =	stream.indirect.gather [hbm4b:s5+s6], $0x1, s2, s6, $0xb8;
	[tilespmem:$0x400] =	vst v63  }
0xd: {  	p0 =	sne.s32 s31, $0x1;
	_ =	swait.ge [sflag:s7], $0x200  }
.Ltmp0:
0xe: {  	[sflag:s7] =	ssyncset.done $0x0;
	(pc) =	sbr.rel @!p0 .LBB2_2-.Ltmp0, $4  }
0xf: {  	s8 =	sadd.s32 s8, s9;
	[sflag:s7] =	ssyncadd.s32 $0xFFFFFE00  }
0x10: {  	[hbm4b:s8+s2] =	stream.linear.scatter [tilespmem:s6], [sflag:$0x2], $0x200, $0x38;
	[tilespmem:$0x400] =	vst v63  }
0x11: {  	_ =	swait.ge [sflag:s3], $0x200  }
0x12: {  	s9 =	sadd.s32 $0xFFFFFFFF, s31;
	[sflag:s3] =	ssyncset.done $0x0  }
.LBB2_1:
0x13: {  	p0 =	sne.s32 s9, $0x1;
	s9 =	sadd.s32 $0xFFFFFFFF, s9;
	[sflag:s3] =	ssyncadd.s32 $0xFFFFFE00  }
0x14: {  	[tilespmem:s2], [sflag:$0x2] =	stream.linear.gather [hbm4b:s4+s2], $0x200, $0x38;
	[tilespmem:$0x400] =	vst v63  }
0x15: {  	_ =	swait.ge [sflag:s3], $0x200  }
0x16: {  	[sflag:s3] =	ssyncset.done $0x0  }
0x17: {  	[sflag:s3] =	ssyncadd.s32 $0xFFFFFE00  }
0x18: {  	[tilespmem:s6], [sflag:$0x1] =	stream.indirect.gather [hbm4b:s5+s6], $0x1, s2, s6, $0xb8;
	[tilespmem:$0x400] =	vst v63  }
0x19: {  	_ =	swait.ge [sflag:s7], $0x200  }
.Ltmp1:
0x1a: {  	[sflag:s7] =	ssyncset.done $0x0;
	(pc) =	sbr.rel @p0 .LBB2_1-.Ltmp1, $4  }
0x1b: {  	[sflag:s7] =	ssyncadd.s32 $0xFFFFFE00  }
0x1c: {  	[hbm4b:s8+s2] =	stream.linear.scatter [tilespmem:s6], [sflag:$0x2], $0x200, $0x38;
	[tilespmem:$0x400] =	vst v63  }
0x1d: {  	_ =	swait.ge [sflag:s3], $0x200  }
0x1e: {  	[sflag:s3] =	ssyncset.done $0x0  }
.LBB2_2:
0x1f: {  	[sflag:s3] =	ssyncadd.s32 $0xFFFFFE00  }
0x20: {  	_ =	sfence.sel $0x180000  }
0x21: {  	[bflag:$0x0] =	sbarrier.arrive $0xFFFF  }
0x22: {  	p0 =	sne.s32 s1, $0x0;
	_ =	strace $0x9000004A  }
0x23: {  	s0 =	sadd.s32 @!p0 $0x100000, s0;
	[bflag:$0x2] =	sbarrier.arrive $0xFFFF  }
0x24: {  	[sflag:s0] =	ssyncadd.tile.s32 @!p0 $0x1;
	_ =	shalt  }
.Lfunc_end2:
_tile_overlayer_lowered:
.L_overlay_start_2:
0x25: {  	(tag) =	ssettag $0x2  }
0x26: {  	s0 =	rddreg [dreg:$0x0];
	s2 =	stileid.u32  }
0x27: {  	s1 =	rddreg [dreg:$0x1];
	p0 =	sne.s32 s2, $0x0  }
0x28: {  	s3 =	rddreg [dreg:$0x2];
	[bflag:$0x3] =	sbarrier.arrive $0xFFFF;
	s2 =	simm.s32 @!p0 $0x1C02  }
0x29: {  	[timem:s3], [sflag:s2] =	dma.local @!p0 [hbm:s0], s1  }
0x2a: {  	s0 =	simm.s32 @!p0 $0x2  }
0x2b: {  	_ =	swait.ge @!p0 [sflag:s0], s1  }
0x2c: {  	s1 =	ssub.s32 @!p0 $0x0, s1;
	[sflag:s0] =	ssyncset.done @!p0 $0x0  }
0x2d: {  	[sflag:s0] =	ssyncadd.s32 @!p0 s1  }
0x2e: {  	[bflag:$0x3] =	sbarrier.arrive $0xFFFF  }
0x2f: {  	_ =	shalt  }

// kernel: kernel.9.cloned.1.call-start
scs
__scs_entry_jumppad:
0x0: {  	(pc) =	sbr.rel $0x88, $3  }
0x1: {  	(tag) =	ssettag $0x0;
	lr =	simm.s32 $0x1  }
0x2: {  	[smem:$0x3F94] =	sst lr;
	_ =	strace $0xD0000000  }
0x3: {  	_ = 	snop  }
0x4: {  	_ = 	snop  }
0x5: {  	_ = 	snop  }
0x6: {  	_ = 	snop  }
0x7: {  	_ = 	snop  }
__scs_overlays_trampoline_lowered:
0x8: {  	[smem:$0x3FA3] =	sst s0  }
0x9: {  	[smem:$0x3FA4] =	sst s1  }
0xa: {  	[smem:$0x3FA5] =	sst s2  }
0xb: {  	[smem:$0x3FA6] =	sst s3  }
0xc: {  	[smem:$0x3FA7] =	sst s4  }
0xd: {  	[smem:$0x3FA8] =	sst s5  }
0xe: {  	[smem:$0x3FA9] =	sst s6  }
0xf: {  	[smem:$0x3FAA] =	sst s7  }
0x10: {  	[smem:$0x3FAB] =	sst s8  }
0x11: {  	[smem:$0x3FAC] =	sst s9;
	s0 =	simm.s32 @!p0 $0x0  }
0x12: {  	s1 =	sld [smem:$0x3F92];
	s0 =	simm.s32 @p0 $0x1  }
0x13: {  	[smem:$0x3FAD] =	sst s0;
	s0 =	simm.s32 @!p1 $0x0  }
0x14: {  	s2 =	sld [smem:$0x3F91];
	s0 =	simm.s32 @p1 $0x1  }
0x15: {  	[smem:$0x3FAE] =	sst s0;
	s0 =	simm.s32 @!p2 $0x0  }
0x16: {  	s3 =	sld [smem:$0x3FDB];
	s0 =	simm.s32 @p2 $0x1  }
0x17: {  	s4 =	simm.s32 $0x1BF5;
	[smem:$0x3FB0] =	sst s0  }
0x18: {  	s0 =	sld [smem:$0x3F93];
	_ =	swait.ge [sflag:s4], $0x0  }
0x19: {  	s7 =	sld [smem:$0x3F94]  }
0x1a: {  	s8 =	sadd.s32 $0xFFFFE003, lr  }
0x1b: {  	s9 =	sadd.s32 $0xFFFFFEF7, lr;
	s5 =	simm.s32 $0xFFFFFFFF;
	p2 =	slt.u32 s8, $0xFFFFF086  }
0x1c: {  	p1 =	slt.u32 s9, $0xF7A;
	s5 =	simm.s32 @!p2 $0x0  }
0x1d: {  	s5 =	simm.s32 @p1 $0x1;
	p0 =	seq.s32 s7, s2  }
0x1e: {  	s7 =	smul.u32 @!p0 $0xF7A, s2;
	p2 =	seq.s32 @!p0 s5, $0x0  }
0x1f: {  	s9 =	smul.u32 $0xF7A, s1;
	s8 =	simm.s32 @!p0 $0x1BF5;
	p2 =	por !p2, p0  }
0x20: {  	[sflag:s8] =	ssyncset.s32 @!p0 $0xFFFFF086;
	s6 =	sadd.s32 @!p0 s3, s7;
	s7 =	simm.s32 @!p0 $0x108  }
0x21: {  	s3 =	sadd.s32 s3, s9;
	s6 =	sadd.s32 @!p0 $0x88, s6;
	s7 =	simm.s32 @p2 $0x1082  }
0x22: {  	[simem:s7], [sflag:s8] =	dma.local @!p0 [hbm:s6], $0xF7A  }
0x23: {  	s9 =	sor.u32 $0xD0000000, s2;
	s6 =	simm.s32 $0x108;
	_ =	swait.ge @!p0 [sflag:s8], $0x0  }
0x24: {  	s3 =	sadd.s32 $0x88, s3;
	s6 =	simm.s32 @!p1 $0x1082;
	[sflag:s4] =	ssyncset.s32 $0xFFFFF086  }
0x25: {  	[simem:s6], [sflag:s4] =	dma.local [hbm:s3], $0xF7A  }
0x26: {  	[smem:$0x3F94] =	sst s1;
	(tag) =	ssettag s2;
	_ =	strace s9  }
0x27: {  	s1 =	sld [smem:$0x3FA4]  }
0x28: {  	s2 =	sld [smem:$0x3FA5]  }
0x29: {  	s4 =	sld [smem:$0x3FA7]  }
0x2a: {  	p0 =	seq.s32 s5, $0x0;
	s5 =	sld [smem:$0x3FA8]  }
0x2b: {  	s6 =	sld [smem:$0x3FA9]  }
0x2c: {  	s7 =	sld [smem:$0x3FAA]  }
0x2d: {  	s3 =	simm.s32 $0x108;
	s8 =	sld [smem:$0x3FAB]  }
0x2e: {  	s3 =	simm.s32 @!p0 $0x1082;
	s9 =	sld [smem:$0x3FAC]  }
0x2f: {  	lr =	sadd.s32 s0, s3;
	s0 =	sld [smem:$0x3FA3]  }
0x30: {  	s3 =	sld [smem:$0x3FA6]  }
0x31: {  	[smem:$0x3FAF] =	sst s10  }
0x32: {  	s10 =	sld [smem:$0x3FAD];
	_ =	sdelay $0x3  }
0x33: {  	p0 =	seq.s32 s10, $0x1;
	s10 =	sld [smem:$0x3FAF];
	_ =	sdelay $0x3  }
0x34: {  	[smem:$0x3FAF] =	sst s10  }
0x35: {  	s10 =	sld [smem:$0x3FAE];
	_ =	sdelay $0x3  }
0x36: {  	p1 =	seq.s32 s10, $0x1;
	s10 =	sld [smem:$0x3FAF];
	_ =	sdelay $0x3  }
0x37: {  	[smem:$0x3FAF] =	sst s10  }
0x38: {  	s10 =	sld [smem:$0x3FB0]  }
0x39: {  	_ = 	snop;
	(pc) =	sbr.ind lr, $3  }
0x3a: {  	_ = 	snop  }
0x3b: {  	_ = 	snop  }
0x3c: {  	p2 =	seq.s32 s10, $0x1;
	s10 =	sld [smem:$0x3FAF]  }
0x3d: {  	_ =	shalt  }
0x3e: {  	_ =	shalt  }
0x3f: {  	_ =	shalt  }
0x40: {  	_ =	shalt  }
0x41: {  	_ =	shalt  }
0x42: {  	_ =	shalt  }
0x43: {  	_ =	shalt  }
0x44: {  	_ =	shalt  }
0x45: {  	_ =	shalt  }
0x46: {  	_ =	shalt  }
0x47: {  	_ =	shalt  }
0x48: {  	_ =	shalt  }
0x49: {  	_ =	shalt  }
0x4a: {  	_ =	shalt  }
0x4b: {  	_ =	shalt  }
0x4c: {  	_ =	shalt  }
0x4d: {  	_ =	shalt  }
0x4e: {  	_ =	shalt  }
0x4f: {  	_ =	shalt  }
0x50: {  	_ =	shalt  }
0x51: {  	_ =	shalt  }
0x52: {  	_ =	shalt  }
0x53: {  	_ =	shalt  }
0x54: {  	_ =	shalt  }
0x55: {  	_ =	shalt  }
0x56: {  	_ =	shalt  }
0x57: {  	_ =	shalt  }
0x58: {  	_ =	shalt  }
0x59: {  	_ =	shalt  }
0x5a: {  	_ =	shalt  }
0x5b: {  	_ =	shalt  }
0x5c: {  	_ =	shalt  }
0x5d: {  	_ =	shalt  }
0x5e: {  	_ =	shalt  }
0x5f: {  	_ =	shalt  }
0x60: {  	_ =	shalt  }
0x61: {  	_ =	shalt  }
0x62: {  	_ =	shalt  }
0x63: {  	_ =	shalt  }
0x64: {  	_ =	shalt  }
0x65: {  	_ =	shalt  }
0x66: {  	_ =	shalt  }
0x67: {  	_ =	shalt  }
0x68: {  	_ =	shalt  }
0x69: {  	_ =	shalt  }
0x6a: {  	_ =	shalt  }
0x6b: {  	_ =	shalt  }
0x6c: {  	_ =	shalt  }
0x6d: {  	_ =	shalt  }
0x6e: {  	_ =	shalt  }
0x6f: {  	_ =	shalt  }
0x70: {  	_ =	shalt  }
0x71: {  	_ =	shalt  }
0x72: {  	_ =	shalt  }
0x73: {  	_ =	shalt  }
0x74: {  	_ =	shalt  }
0x75: {  	_ =	shalt  }
0x76: {  	_ =	shalt  }
0x77: {  	_ =	shalt  }
0x78: {  	_ =	shalt  }
0x79: {  	_ =	shalt  }
0x7a: {  	_ =	shalt  }
0x7b: {  	_ =	shalt  }
0x7c: {  	_ =	shalt  }
0x7d: {  	_ =	shalt  }
0x7e: {  	_ =	shalt  }
0x7f: {  	_ =	shalt  }
0x80: {  	_ =	shalt  }
0x81: {  	_ =	shalt  }
0x82: {  	_ =	shalt  }
0x83: {  	_ =	shalt  }
0x84: {  	_ =	shalt  }
0x85: {  	_ =	shalt  }
0x86: {  	_ =	shalt  }
0x87: {  	_ =	shalt  }
.Lfunc_end0:
.L_simem_size_0:
called_computation.1_lowered:
.L_overlay_start_0:
0x88: {  	s2 =	sld [smem:$0x3FD9]  }
0x89: {  	s3 =	sld [smem:$0x3FFE];
	_ =	sdelay $0x1  }
0x8a: {  	s1 =	srdreg.scid  }
0x8b: {  	s0 =	sand.u32 $0x1, s1  }
0x8c: {  	s14 =	sshll.u32 s0, $0xA;
	s2 =	sadd.s32 s3, s2  }
0x8d: {  	s2 =	sadd.s32 s2, s14  }
0x8e: {  	[smem:$0x3FBB] =	sst s2  }
0x8f: {  	_ = 	snop  }
0x90: {  	s2 =	sld [smem:$0x3FC8]  }
0x91: {  	s15 =	sld [smem:$0x3FC7]  }
0x92: {  	s4 =	sld [smem:$0x3FC6]  }
0x93: {  	s5 =	sld [smem:$0x3FD0]  }
0x94: {  	s6 =	sld [smem:$0x3FC5]  }
0x95: {  	s7 =	sld [smem:$0x3FC0]  }
0x96: {  	s9 =	simm.s32 $0xB;
	s10 =	simm.s32 $0x10;
	s8 =	sld [smem:$0x3FBF]  }
0x97: {  	[smem:s10], [sflag:s9] =	dma.local [hbm:s5], $0x1  }
0x98: {  	_ =	swait.eq [sflag:s9], $0x1  }
0x99: {  	[sflag:s9] =	ssyncset.done $0x0  }
0x9a: {  	[sflag:s9] =	ssyncadd.s32 $0xFFFFFFFF  }
0x9b: {  	s16 =	sld [smem:$0x10];
	(tm) =	ssettm $0x1  }
0x9c: {  	s17 =	sld [smem:$0x3FFB];
	_ =	sdelay $0x3  }
0x9d: {  	_ =	strace s17  }
0x9e: {  	s9 =	sld [smem:$0x3FFC];
	_ =	sdelay $0x3  }
0x9f: {  	_ =	strace s9  }
0xa0: {  	s9 =	sld [smem:$0x3FFD];
	_ =	sdelay $0x3  }
0xa1: {  	_ =	strace s9  }
0xa2: {  	_ =	strace $0x8FFFFFFF  }
0xa3: {  	s18 =	sld [smem:$0x3FDB];
	_ =	sdelay $0x1  }
0xa4: {  	s19 =	simm.s32 $_scs_section_size  }
0xa5: {  	s11 =	simm.s32 $_size__tile_overlayer_lowered;
	s12 =	simm.s32 $_tile_overlayer_lowered  }
0xa6: {  	s22 =	simm.s32 $0x1BFF;
	s21 =	sshll.u32 s12, $0x1;
	s9 =	sadd.s32 s19, s18  }
0xa7: {  	s13 =	simm.s32 $0x0;
	s20 =	sshll.u32 s11, $0x1;
	s11 =	sadd.s32 s21, s9  }
0xa8: {  	[timem:s13], [sflag:s22] =	dma.local [hbm:s11], s20  }
0xa9: {  	_ =	swait.ge [sflag:s22], s20  }
0xaa: {  	s10 =	ssub.s32 $0x0, s20;
	[sflag:s22] =	ssyncset.done $0x0  }
0xab: {  	[sflag:s22] =	ssyncadd.s32 s10;
	_ =	sdelay $0x1  }
0xac: {  	s23 =	simm.s32 $0x1B8B  }
0xad: {  	_ =	swait.ge [sflag:s23], $0x1  }
0xae: {  	[sflag:s23] =	ssyncset.done $0x0  }
0xaf: {  	s25 =	simm.s32 $0x1B8E;
	s24 =	sld [smem:$0x3FFE];
	[sflag:s23] =	ssyncadd.s32 $0xFFFFFFFF  }
0xb0: {  	s26 =	simm.s32 $execute0_lowered;
	[smem:$0x3FD2] =	sst s25  }
0xb1: {  	s11 =	sshll.u32 s26, $0x1;
	_ =	strace $0x80000046;
	[dreg:$0x1] =	wrdreg $0xFFFFFFFF  }
0xb2: {  	s28 =	simm.s32 $_size_execute0_lowered;
	s9 =	sadd.s32 s9, s11;
	[dreg:$0x0] =	wrdreg $0x0  }
0xb3: {  	s11 =	sshll.u32 s28, $0x1;
	[dreg:$0x2] =	wrdreg s9  }
0xb4: {  	[dreg:$0x3] =	wrdreg s11  }
0xb5: {  	[dreg:$0x4] =	wrdreg $0xC0  }
0xb6: {  	_ =	task [dreg:s13], $0x5FFFF  }
0xb7: {  	[dreg:$0x1] =	wrdreg $0xFFFFFFFF  }
0xb8: {  	[dreg:$0x0] =	wrdreg $0x60  }
0xb9: {  	[dreg:$0x2] =	wrdreg s24  }
0xba: {  	[dreg:$0x3] =	wrdreg s2  }
0xbb: {  	[dreg:$0x4] =	wrdreg s15  }
0xbc: {  	[dreg:$0x5] =	wrdreg s4  }
0xbd: {  	[dreg:$0x6] =	wrdreg s6  }
0xbe: {  	[dreg:$0x7] =	wrdreg s7  }
0xbf: {  	[dreg:$0x8] =	wrdreg s8  }
0xc0: {  	[dreg:$0x9] =	wrdreg s16  }
0xc1: {  	[dreg:$0xa] =	wrdreg $0xA  }
0xc2: {  	_ =	task.clear_ibuf [dreg:s13], $0xBFFFF;
	_ =	strace $0x90000046  }
0xc3: {  	s29 =	simm.s32 $0xA;
	_ =	strace $0x80000048  }
0xc4: {  	_ =	swait.ge [sflag:s29], $0x1  }
0xc5: {  	[sflag:s29] =	ssyncadd.s32 $0xFFFFFFFF  }
0xc6: {  	_ =	strace $0x90000048  }
0xc7: {  	_ =	sfence  }
0xc8: {  	s30 =	sld [smem:$0x0];
	_ =	sdelay $0x2  }
0xc9: {  	s31 =	sshll.u32 s1, $0xD;
	s1 =	sshrl.u32 s1, $0x2  }
0xca: {  	s3 =	sand.u32 $0x4000, s31;
	s1 =	sadd.s32 s1, s30  }
0xcb: {  	s0 =	sor.u32 s3, s0;
	s1 =	sshll.u32 s1, $0x11  }
0xcc: {  	s0 =	sor.u32 s1, s0  }
0xcd: {  	s0 =	sadd.s32 $0x8F2B, s0  }
0xce: {  	[sflag:s0] =	ssyncadd.remote.s32 $0x1  }
0xcf: {  	_ =	sfence.sel $0xFFFF  }
0xd0: {  	[dreg:$0x0] =	wrdreg $0xFFFFFFFF;
	(pc) =	sbr.abs _section_cstart, $3  }
0xd1: {  	[dreg:$0x1] =	wrdreg $0xFFFFFFFF  }
0xd2: {  	_ =	task.clear_ibuf [dreg:s13], $0x2FFFF;
	_ =	strace $0x9FFFFFFF  }
0xd3: {  	(tm) =	ssettm $0x7FFFFFFF  }
tec
execute0_lowered:
.L_overlay_start_1:
0x0: {  	(tag) =	ssettag $0x1  }
0x1: {  	s0 =	rddreg [dreg:$0x0]  }
0x2: {  	s1 =	rddreg [dreg:$0x1]  }
0x3: {  	s2 =	rddreg [dreg:$0x2]  }
0x4: {  	s3 =	rddreg [dreg:$0x3]  }
0x5: {  	s5 =	rddreg [dreg:$0x4];
	s4 =	srdreg.scid  }
0x6: {  	s8 =	stileid.u32;
	s7 =	rddreg [dreg:$0x7]  }
0x7: {  	s19 =	simm.s32 $0x2;
	s20 =	simm.s32 $0x18A00;
	s21 =	simm.s32 $0x19200  }
0x8: {  	s22 =	simm.s32 $0x19A00;
	s23 =	simm.s32 $0x1A200;
	s28 =	simm.s32 $0x20000  }
0x9: {  	s6 =	sand.u32 $0x1, s4;
	s8 =	sshll.u32 s8, $0xA;
	s4 =	simm.s32 $0x0  }
0xa: {  	s25 =	sadd.s32 $0x3000, s0;
	s26 =	sadd.s32 $0x3DB000, s0;
	[smem:$0x7FF] =	sst s4  }
0xb: {  	s29 =	sadd.s32 $0x3DB200, s0;
	_ =	strace $0x80000047;
	[dreg:$0x9] =	wrdreg s25  }
0xc: {  	s9 =	sshll.u32 s6, $0x9;
	s6 =	ssub.s32 $0x2, s6;
	[dreg:$0xa] =	wrdreg s26  }
0xd: {  	s13 =	sor.u32 s9, s8;
	[dreg:$0xb] =	wrdreg s29;
	s30 =	sshrl.u32 s6, $0x1  }
0xe: {  	s25 =	simm.s32 $0x1;
	s26 =	simm.s32 $0x1000;
	s12 =	sshrl.u32 s13, $0x3  }
0xf: {  	s6 =	ssub.s32 s6, s30;
	s31 =	sshll.u32 s13, $0x4;
	s24 =	sadd.s32 s12, s0  }
0x10: {  	s0 =	sadd.s32 s13, s0;
	s9 =	sadd.s32 s1, s12;
	s10 =	sadd.s32 s2, s12  }
0x11: {  	s11 =	sadd.s32 s3, s12;
	s12 =	sadd.s32 s5, s12;
	s8 =	sadd.s32 $0x2800, s24  }
0x12: {  	s15 =	sadd.s32 s7, s31;
	s13 =	sadd.s32 $0x3DB400, s0;
	s14 =	sadd.s32 $0x3E3400, s0  }
0x13: {  	s18 =	smax.u32 s6, $0x1;
	s16 =	sadd.s32 $0x3EB400, s0;
	s17 =	sadd.s32 $0x3F3400, s0  }
0x14: {  	s24 =	simm.s32 $0xA00;
	s0 =	simm.s32 $0x0;
	[dreg:$0xc] =	wrdreg s8  }
.LBB2_1:
0x15: {  	s1 =	rddreg [dreg:$0xc]  }
0x16: {  	[tilespmem:s4], [sflag:$0x2] =	stream.linear.gather [hbm4b:s1+s4], $0x200, $0x38;
	[tilespmem:$0x1E200] =	vst v63  }
0x17: {  	_ =	swait.ge [sflag:s19], $0x200  }
0x18: {  	[sflag:s19] =	ssyncset.done $0x0  }
0x19: {  	s1 =	simm.s32 $0x200;
	[sflag:s19] =	ssyncadd.s32 $0xFFFFFE00  }
0x1a: {  	[tilespmem:s1], [sflag:$0x2] =	stream.linear.gather [hbm4b:s9+s4], $0x200, $0x38;
	[tilespmem:$0x1E200] =	vst v63  }
0x1b: {  	_ =	swait.ge [sflag:s19], $0x200  }
0x1c: {  	[sflag:s19] =	ssyncset.done $0x0  }
0x1d: {  	s3 =	simm.s32 $0x400;
	[sflag:s19] =	ssyncadd.s32 $0xFFFFFE00  }
0x1e: {  	[tilespmem:s3], [sflag:$0x2] =	stream.linear.gather [hbm4b:s10+s4], $0x200, $0x38;
	[tilespmem:$0x1E200] =	vst v63  }
0x1f: {  	_ =	swait.ge [sflag:s19], $0x200  }
0x20: {  	[sflag:s19] =	ssyncset.done $0x0  }
0x21: {  	s29 =	simm.s32 $0x600;
	[sflag:s19] =	ssyncadd.s32 $0xFFFFFE00  }
0x22: {  	[tilespmem:s29], [sflag:$0x2] =	stream.linear.gather [hbm4b:s11+s4], $0x200, $0x38;
	[tilespmem:$0x1E200] =	vst v63  }
0x23: {  	_ =	swait.ge [sflag:s19], $0x200  }
0x24: {  	[sflag:s19] =	ssyncset.done $0x0  }
0x25: {  	s30 =	simm.s32 $0x800;
	[sflag:s19] =	ssyncadd.s32 $0xFFFFFE00  }
0x26: {  	[tilespmem:s30], [sflag:$0x2] =	stream.linear.gather [hbm4b:s12+s4], $0x200, $0x38;
	[tilespmem:$0x1E200] =	vst v63  }
0x27: {  	_ =	swait.ge [sflag:s19], $0x200  }
0x28: {  	[sflag:s19] =	ssyncset.done $0x0  }
0x29: {  	s2 =	rddreg [dreg:$0xa];
	[sflag:s19] =	ssyncadd.s32 $0xFFFFFE00  }
0x2a: {  	[tilespmem:s20], [sflag:$0x2] =	stream.linear.gather [hbm4b:s2+s4], $0x800, $0x38;
	[tilespmem:$0x1E200] =	vst v63  }
0x2b: {  	_ =	swait.ge [sflag:s19], $0x800  }
0x2c: {  	[sflag:s19] =	ssyncset.done $0x0  }
0x2d: {  	s5 =	rddreg [dreg:$0xb];
	[sflag:s19] =	ssyncadd.s32 $0xFFFFF800  }
0x2e: {  	[tilespmem:s21], [sflag:$0x2] =	stream.linear.gather [hbm4b:s5+s4], $0x800, $0x38;
	[tilespmem:$0x1E200] =	vst v63  }
0x2f: {  	_ =	swait.ge [sflag:s19], $0x800  }
0x30: {  	[sflag:s19] =	ssyncset.done $0x0  }
0x31: {  	[sflag:s19] =	ssyncadd.s32 $0xFFFFF800  }
0x32: {  	s6 =	rddreg [dreg:$0x5]  }
0x33: {  	[tilespmem:s22], [sflag:$0x2] =	stream.linear.gather [hbm4b:s6+s4], $0x800, $0x38;
	[tilespmem:$0x1E200] =	vst v63  }
0x34: {  	_ =	swait.ge [sflag:s19], $0x800  }
0x35: {  	[sflag:s19] =	ssyncset.done $0x0  }
0x36: {  	[sflag:s19] =	ssyncadd.s32 $0xFFFFF800  }
0x37: {  	s7 =	rddreg [dreg:$0x6]  }
0x38: {  	[tilespmem:s23], [sflag:$0x2] =	stream.linear.gather [hbm4b:s7+s4], $0x4000, $0x38;
	[tilespmem:$0x1E200] =	vst v63  }
0x39: {  	_ =	swait.ge [sflag:s19], $0x4000  }
0x3a: {  	s31 =	simm.s32 $0x0;
	[sflag:s19] =	ssyncset.done $0x0  }
0x3b: {  	s2 =	simm.s32 $0x0;
	s8 =	rddreg [dreg:$0x9];
	[sflag:s19] =	ssyncadd.s32 $0xFFFFC000  }
0x3c: {  	[tilespmem:s24], [sflag:$0x1] =	stream.indirect.gather [hbm4b:s8+s1], $0x80, s4, s1, $0xb8;
	[tilespmem:$0x1E200] =	vst v63  }
.LBB2_2:
0x3d: {  	v2 =	vld [tilespmem:s1+$0x0];
	_ =	sdelay $0x5  }
0x3e: {  	v1 =	vld [tilespmem:s3+$0x0];
	_ =	sdelay $0x1  }
0x3f: {  	v3 =	vld.idx.msk [tilespmem:v2+s20+$0x0], $0xffff;
	_ =	sdelay $0x2  }
0x40: {  	s5 =	sand.u32 $0x70, s2;
	s6 =	sand.u32 $0xC00, s31  }
0x41: {  	v0 =	vld [tilespmem:s29+$0x0];
	s5 =	sor.u32 s5, s6  }
0x42: {  	v4 =	vld [tilespmem:s30+$0x0];
	[tilespmem:s5+$0x10A00] =	vst v3  }
0x43: {  	v3 =	vld.idx.msk [tilespmem:v1+s21+$0x0], $0xffff;
	_ =	sdelay $0x4  }
0x44: {  	v62 =	vshll.u32 v4, $0x3;
	[tilespmem:s5+$0x12A00] =	vst v3  }
0x45: {  	v4 =	vand.u32 $0x7F, v4;
	v3 =	vand.u32 $0xFFFFFC00, v62;
	v5 =	vld.idx.msk [tilespmem:v0+s22+$0x0], $0xffff  }
0x46: {  	v3 =	vor.u32 v4, v3;
	_ =	sdelay $0x3  }
0x47: {  	[tilespmem:s5+$0x14A00] =	vst v5  }
0x48: {  	v4 =	vld.idx.msk [tilespmem:v3+s23+$0x0], $0xffff  }
0x49: {  	v63 =	vadd.s32 $0x80, v2;
	_ =	sdelay $0x3  }
0x4a: {  	[tilespmem:s5+$0x16A00] =	vst v4  }
0x4b: {  	v4 =	vld.idx.msk [tilespmem:v63+s20+$0x0], $0xffff  }
0x4c: {  	v8 =	vadd.s32 $0x80, v1;
	_ =	sdelay $0x3  }
0x4d: {  	[tilespmem:s5+$0x10A80] =	vst v4  }
0x4e: {  	v4 =	vld.idx.msk [tilespmem:v8+s21+$0x0], $0xffff  }
0x4f: {  	v9 =	vadd.s32 $0x80, v0;
	_ =	sdelay $0x3  }
0x50: {  	[tilespmem:s5+$0x12A80] =	vst v4  }
0x51: {  	v4 =	vld.idx.msk [tilespmem:v9+s22+$0x0], $0xffff  }
0x52: {  	v10 =	vor.u32 $0x80, v3;
	_ =	sdelay $0x3  }
0x53: {  	[tilespmem:s5+$0x14A80] =	vst v4  }
0x54: {  	v4 =	vld.idx.msk [tilespmem:v10+s23+$0x0], $0xffff  }
0x55: {  	v11 =	vadd.s32 $0x100, v2;
	_ =	sdelay $0x3  }
0x56: {  	[tilespmem:s5+$0x16A80] =	vst v4  }
0x57: {  	v4 =	vld.idx.msk [tilespmem:v11+s20+$0x0], $0xffff  }
0x58: {  	v12 =	vadd.s32 $0x100, v1;
	_ =	sdelay $0x3  }
0x59: {  	[tilespmem:s5+$0x10B00] =	vst v4  }
0x5a: {  	v4 =	vld.idx.msk [tilespmem:v12+s21+$0x0], $0xffff  }
0x5b: {  	v13 =	vadd.s32 $0x100, v0;
	_ =	sdelay $0x3  }
0x5c: {  	[tilespmem:s5+$0x12B00] =	vst v4  }
0x5d: {  	v4 =	vld.idx.msk [tilespmem:v13+s22+$0x0], $0xffff  }
0x5e: {  	v14 =	vor.u32 $0x100, v3;
	_ =	sdelay $0x3  }
0x5f: {  	[tilespmem:s5+$0x14B00] =	vst v4  }
0x60: {  	v4 =	vld.idx.msk [tilespmem:v14+s23+$0x0], $0xffff  }
0x61: {  	v15 =	vadd.s32 $0x180, v2;
	_ =	sdelay $0x3  }
0x62: {  	[tilespmem:s5+$0x16B00] =	vst v4  }
0x63: {  	v4 =	vld.idx.msk [tilespmem:v15+s20+$0x0], $0xffff  }
0x64: {  	v16 =	vadd.s32 $0x180, v1  }
0x65: {  	s7 =	sand.u32 $0xFFFFFC00, s31  }
0x66: {  	s6 =	sadd.s32 s7, s2  }
0x67: {  	s7 =	sor.u32 $0x180, s6  }
0x68: {  	[tilespmem:s7+$0x10A00] =	vst v4  }
0x69: {  	v4 =	vld.idx.msk [tilespmem:v16+s21+$0x0], $0xffff  }
0x6a: {  	v17 =	vadd.s32 $0x180, v0;
	_ =	sdelay $0x3  }
0x6b: {  	[tilespmem:s7+$0x12A00] =	vst v4  }
0x6c: {  	v4 =	vld.idx.msk [tilespmem:v17+s22+$0x0], $0xffff  }
0x6d: {  	v18 =	vor.u32 $0x180, v3;
	_ =	sdelay $0x3  }
0x6e: {  	[tilespmem:s7+$0x14A00] =	vst v4  }
0x6f: {  	v4 =	vld.idx.msk [tilespmem:v18+s23+$0x0], $0xffff  }
0x70: {  	v19 =	vadd.s32 $0x200, v2;
	_ =	sdelay $0x3  }
0x71: {  	[tilespmem:s7+$0x16A00] =	vst v4  }
0x72: {  	v4 =	vld.idx.msk [tilespmem:v19+s20+$0x0], $0xffff  }
0x73: {  	v20 =	vadd.s32 $0x200, v1;
	_ =	sdelay $0x3  }
0x74: {  	[tilespmem:s5+$0x10C00] =	vst v4  }
0x75: {  	v4 =	vld.idx.msk [tilespmem:v20+s21+$0x0], $0xffff  }
0x76: {  	v21 =	vadd.s32 $0x200, v0;
	_ =	sdelay $0x3  }
0x77: {  	[tilespmem:s5+$0x12C00] =	vst v4  }
0x78: {  	v4 =	vld.idx.msk [tilespmem:v21+s22+$0x0], $0xffff  }
0x79: {  	v22 =	vor.u32 $0x200, v3;
	_ =	sdelay $0x3  }
0x7a: {  	[tilespmem:s5+$0x14C00] =	vst v4  }
0x7b: {  	v4 =	vld.idx.msk [tilespmem:v22+s23+$0x0], $0xffff  }
0x7c: {  	v23 =	vadd.s32 $0x280, v2;
	_ =	sdelay $0x3  }
0x7d: {  	[tilespmem:s5+$0x16C00] =	vst v4  }
0x7e: {  	v4 =	vld.idx.msk [tilespmem:v23+s20+$0x0], $0xffff  }
0x7f: {  	v24 =	vadd.s32 $0x280, v1;
	_ =	sdelay $0x3  }
0x80: {  	[tilespmem:s5+$0x10C80] =	vst v4  }
0x81: {  	v4 =	vld.idx.msk [tilespmem:v24+s21+$0x0], $0xffff  }
0x82: {  	v25 =	vadd.s32 $0x280, v0;
	_ =	sdelay $0x3  }
0x83: {  	[tilespmem:s5+$0x12C80] =	vst v4  }
0x84: {  	v4 =	vld.idx.msk [tilespmem:v25+s22+$0x0], $0xffff  }
0x85: {  	v26 =	vor.u32 $0x280, v3;
	_ =	sdelay $0x3  }
0x86: {  	[tilespmem:s5+$0x14C80] =	vst v4  }
0x87: {  	v4 =	vld.idx.msk [tilespmem:v26+s23+$0x0], $0xffff  }
0x88: {  	v27 =	vadd.s32 $0x300, v2;
	_ =	sdelay $0x3  }
0x89: {  	[tilespmem:s5+$0x16C80] =	vst v4  }
0x8a: {  	v4 =	vld.idx.msk [tilespmem:v27+s20+$0x0], $0xffff  }
0x8b: {  	v28 =	vadd.s32 $0x300, v1;
	_ =	sdelay $0x3  }
0x8c: {  	[tilespmem:s5+$0x10D00] =	vst v4  }
0x8d: {  	v4 =	vld.idx.msk [tilespmem:v28+s21+$0x0], $0xffff  }
0x8e: {  	v29 =	vadd.s32 $0x300, v0;
	_ =	sdelay $0x3  }
0x8f: {  	[tilespmem:s5+$0x12D00] =	vst v4  }
0x90: {  	v4 =	vld.idx.msk [tilespmem:v29+s22+$0x0], $0xffff  }
0x91: {  	v30 =	vor.u32 $0x300, v3;
	_ =	sdelay $0x3  }
0x92: {  	[tilespmem:s5+$0x14D00] =	vst v4  }
0x93: {  	v4 =	vld.idx.msk [tilespmem:v30+s23+$0x0], $0xffff  }
0x94: {  	v31 =	vadd.s32 $0x380, v2;
	_ =	sdelay $0x3  }
0x95: {  	[tilespmem:s5+$0x16D00] =	vst v4  }
0x96: {  	v4 =	vld.idx.msk [tilespmem:v31+s20+$0x0], $0xffff  }
0x97: {  	v32 =	vadd.s32 $0x380, v1;
	_ =	sdelay $0x1  }
0x98: {  	s7 =	sor.u32 s2, s31  }
0x99: {  	s8 =	sor.u32 $0x380, s7  }
0x9a: {  	[tilespmem:s8+$0x10A00] =	vst v4  }
0x9b: {  	v4 =	vld.idx.msk [tilespmem:v32+s21+$0x0], $0xffff  }
0x9c: {  	v33 =	vadd.s32 $0x380, v0;
	_ =	sdelay $0x3  }
0x9d: {  	[tilespmem:s8+$0x12A00] =	vst v4  }
0x9e: {  	v4 =	vld.idx.msk [tilespmem:v33+s22+$0x0], $0xffff  }
0x9f: {  	v34 =	vor.u32 $0x380, v3;
	_ =	sdelay $0x3  }
0xa0: {  	[tilespmem:s8+$0x14A00] =	vst v4  }
0xa1: {  	v4 =	vld.idx.msk [tilespmem:v34+s23+$0x0], $0xffff  }
0xa2: {  	v35 =	vadd.s32 $0x400, v2;
	_ =	sdelay $0x3  }
0xa3: {  	[tilespmem:s8+$0x16A00] =	vst v4  }
0xa4: {  	v4 =	vld.idx.msk [tilespmem:v35+s20+$0x0], $0xffff  }
0xa5: {  	v36 =	vadd.s32 $0x400, v1;
	_ =	sdelay $0x3  }
0xa6: {  	[tilespmem:s5+$0x11A00] =	vst v4  }
0xa7: {  	v4 =	vld.idx.msk [tilespmem:v36+s21+$0x0], $0xffff  }
0xa8: {  	v37 =	vadd.s32 $0x400, v0;
	_ =	sdelay $0x3  }
0xa9: {  	[tilespmem:s5+$0x13A00] =	vst v4  }
0xaa: {  	v4 =	vld.idx.msk [tilespmem:v37+s22+$0x0], $0xffff  }
0xab: {  	v38 =	vadd.s32 $0x2000, v3;
	_ =	sdelay $0x3  }
0xac: {  	[tilespmem:s5+$0x15A00] =	vst v4  }
0xad: {  	v4 =	vld.idx.msk [tilespmem:v38+s23+$0x0], $0xffff  }
0xae: {  	v39 =	vadd.s32 $0x480, v2;
	_ =	sdelay $0x3  }
0xaf: {  	[tilespmem:s5+$0x17A00] =	vst v4  }
0xb0: {  	v4 =	vld.idx.msk [tilespmem:v39+s20+$0x0], $0xffff  }
0xb1: {  	v40 =	vadd.s32 $0x480, v1;
	_ =	sdelay $0x3  }
0xb2: {  	[tilespmem:s5+$0x11A80] =	vst v4  }
0xb3: {  	v4 =	vld.idx.msk [tilespmem:v40+s21+$0x0], $0xffff  }
0xb4: {  	v41 =	vadd.s32 $0x480, v0;
	_ =	sdelay $0x3  }
0xb5: {  	[tilespmem:s5+$0x13A80] =	vst v4  }
0xb6: {  	v4 =	vld.idx.msk [tilespmem:v41+s22+$0x0], $0xffff  }
0xb7: {  	v42 =	vadd.s32 $0x2080, v3;
	_ =	sdelay $0x3  }
0xb8: {  	[tilespmem:s5+$0x15A80] =	vst v4  }
0xb9: {  	v4 =	vld.idx.msk [tilespmem:v42+s23+$0x0], $0xffff  }
0xba: {  	v43 =	vadd.s32 $0x500, v2;
	_ =	sdelay $0x3  }
0xbb: {  	[tilespmem:s5+$0x17A80] =	vst v4  }
0xbc: {  	v4 =	vld.idx.msk [tilespmem:v43+s20+$0x0], $0xffff  }
0xbd: {  	v44 =	vadd.s32 $0x500, v1;
	_ =	sdelay $0x3  }
0xbe: {  	[tilespmem:s5+$0x11B00] =	vst v4  }
0xbf: {  	v4 =	vld.idx.msk [tilespmem:v44+s21+$0x0], $0xffff  }
0xc0: {  	v45 =	vadd.s32 $0x500, v0;
	_ =	sdelay $0x3  }
0xc1: {  	[tilespmem:s5+$0x13B00] =	vst v4  }
0xc2: {  	v4 =	vld.idx.msk [tilespmem:v45+s22+$0x0], $0xffff  }
0xc3: {  	v46 =	vadd.s32 $0x2100, v3;
	_ =	sdelay $0x3  }
0xc4: {  	[tilespmem:s5+$0x15B00] =	vst v4  }
0xc5: {  	v4 =	vld.idx.msk [tilespmem:v46+s23+$0x0], $0xffff  }
0xc6: {  	v47 =	vadd.s32 $0x580, v2;
	_ =	sdelay $0x3  }
0xc7: {  	[tilespmem:s5+$0x17B00] =	vst v4  }
0xc8: {  	v4 =	vld.idx.msk [tilespmem:v47+s20+$0x0], $0xffff  }
0xc9: {  	v48 =	vadd.s32 $0x580, v1;
	_ =	sdelay $0x2  }
0xca: {  	s6 =	sor.u32 $0x1180, s6  }
0xcb: {  	[tilespmem:s6+$0x10A00] =	vst v4  }
0xcc: {  	v4 =	vld.idx.msk [tilespmem:v48+s21+$0x0], $0xffff  }
0xcd: {  	v49 =	vadd.s32 $0x580, v0;
	_ =	sdelay $0x3  }
0xce: {  	[tilespmem:s6+$0x12A00] =	vst v4  }
0xcf: {  	v4 =	vld.idx.msk [tilespmem:v49+s22+$0x0], $0xffff  }
0xd0: {  	v50 =	vadd.s32 $0x2180, v3;
	_ =	sdelay $0x3  }
0xd1: {  	[tilespmem:s6+$0x14A00] =	vst v4  }
0xd2: {  	v4 =	vld.idx.msk [tilespmem:v50+s23+$0x0], $0xffff  }
0xd3: {  	v51 =	vadd.s32 $0x600, v2;
	_ =	sdelay $0x3  }
0xd4: {  	[tilespmem:s6+$0x16A00] =	vst v4  }
0xd5: {  	v4 =	vld.idx.msk [tilespmem:v51+s20+$0x0], $0xffff  }
0xd6: {  	v52 =	vadd.s32 $0x600, v1;
	_ =	sdelay $0x3  }
0xd7: {  	[tilespmem:s5+$0x11C00] =	vst v4  }
0xd8: {  	v4 =	vld.idx.msk [tilespmem:v52+s21+$0x0], $0xffff  }
0xd9: {  	v53 =	vadd.s32 $0x600, v0;
	_ =	sdelay $0x3  }
0xda: {  	[tilespmem:s5+$0x13C00] =	vst v4  }
0xdb: {  	v4 =	vld.idx.msk [tilespmem:v53+s22+$0x0], $0xffff  }
0xdc: {  	v54 =	vadd.s32 $0x2200, v3;
	_ =	sdelay $0x3  }
0xdd: {  	[tilespmem:s5+$0x15C00] =	vst v4  }
0xde: {  	v4 =	vld.idx.msk [tilespmem:v54+s23+$0x0], $0xffff  }
0xdf: {  	v55 =	vadd.s32 $0x680, v2;
	_ =	sdelay $0x3  }
0xe0: {  	[tilespmem:s5+$0x17C00] =	vst v4  }
0xe1: {  	v4 =	vld.idx.msk [tilespmem:v55+s20+$0x0], $0xffff  }
0xe2: {  	v56 =	vadd.s32 $0x680, v1;
	_ =	sdelay $0x3  }
0xe3: {  	[tilespmem:s5+$0x11C80] =	vst v4  }
0xe4: {  	v4 =	vld.idx.msk [tilespmem:v56+s21+$0x0], $0xffff  }
0xe5: {  	v57 =	vadd.s32 $0x680, v0;
	_ =	sdelay $0x3  }
0xe6: {  	[tilespmem:s5+$0x13C80] =	vst v4  }
0xe7: {  	v4 =	vld.idx.msk [tilespmem:v57+s22+$0x0], $0xffff  }
0xe8: {  	v58 =	vadd.s32 $0x2280, v3;
	_ =	sdelay $0x3  }
0xe9: {  	[tilespmem:s5+$0x15C80] =	vst v4  }
0xea: {  	v4 =	vld.idx.msk [tilespmem:v58+s23+$0x0], $0xffff  }
0xeb: {  	v59 =	vadd.s32 $0x700, v2;
	_ =	sdelay $0x3  }
0xec: {  	[tilespmem:s5+$0x17C80] =	vst v4  }
0xed: {  	v4 =	vld.idx.msk [tilespmem:v59+s20+$0x0], $0xffff  }
0xee: {  	v60 =	vadd.s32 $0x700, v1;
	_ =	sdelay $0x3  }
0xef: {  	[tilespmem:s5+$0x11D00] =	vst v4  }
0xf0: {  	v4 =	vld.idx.msk [tilespmem:v60+s21+$0x0], $0xffff  }
0xf1: {  	v61 =	vadd.s32 $0x700, v0;
	_ =	sdelay $0x3  }
0xf2: {  	[tilespmem:s5+$0x13D00] =	vst v4  }
0xf3: {  	v4 =	vld.idx.msk [tilespmem:v61+s22+$0x0], $0xffff  }
0xf4: {  	v62 =	vadd.s32 $0x2300, v3;
	_ =	sdelay $0x3  }
0xf5: {  	[tilespmem:s5+$0x15D00] =	vst v4  }
0xf6: {  	v4 =	vld.idx.msk [tilespmem:v62+s23+$0x0], $0xffff  }
0xf7: {  	v2 =	vadd.s32 $0x780, v2;
	_ =	sdelay $0x3  }
0xf8: {  	[tilespmem:s5+$0x17D00] =	vst v4  }
0xf9: {  	v2 =	vld.idx.msk [tilespmem:v2+s20+$0x0], $0xffff  }
0xfa: {  	v1 =	vadd.s32 $0x780, v1;
	_ =	sdelay $0x2  }
0xfb: {  	s8 =	sor.u32 $0x1380, s7  }
0xfc: {  	[tilespmem:s8+$0x10A00] =	vst v2  }
0xfd: {  	v1 =	vld.idx.msk [tilespmem:v1+s21+$0x0], $0xffff  }
0xfe: {  	v0 =	vadd.s32 $0x780, v0;
	_ =	sdelay $0x3  }
0xff: {  	[tilespmem:s8+$0x12A00] =	vst v1  }
0x100: {  	v0 =	vld.idx.msk [tilespmem:v0+s22+$0x0], $0xffff  }
0x101: {  	v63 =	vadd.s32 $0x2380, v3;
	_ =	sdelay $0x3  }
0x102: {  	[tilespmem:s8+$0x14A00] =	vst v0  }
0x103: {  	p0 =	sne.s32 s2, $0x1F0;
	v0 =	vld.idx.msk [tilespmem:v63+s23+$0x0], $0xffff  }
.Ltmp0:
0x104: {  	_ = 	snop;
	(pc) =	sbr.rel @p0 .LBB2_2-.Ltmp0, $3  }
0x105: {  	_ =	sdelay $0x1  }
0x106: {  	s1 =	sadd.s32 $0x10, s1;
	s3 =	sadd.s32 $0x10, s3;
	s29 =	sadd.s32 $0x10, s29  }
0x107: {  	s30 =	sadd.s32 $0x10, s30;
	s31 =	sadd.s32 $0x80, s31;
	s2 =	sadd.s32 $0x10, s2;
	[tilespmem:s8+$0x16A00] =	vst v0  }
0x108: {  	_ =	swait.ge [sflag:s25], $0x10000  }
0x109: {  	[sflag:s25] =	ssyncset.done $0x0  }
0x10a: {  	[sflag:s25] =	ssyncadd.s32 $0xFFFF0000  }
0x10b: {  	[hbm4b:s15+s4] =	stream.linear.scatter [tilespmem:s24], [sflag:$0x2], $0x10000, $0x38;
	[tilespmem:$0x1E200] =	vst v63  }
0x10c: {  	_ =	swait.ge [sflag:s19], $0x10000  }
0x10d: {  	[sflag:s19] =	ssyncset.done $0x0  }
0x10e: {  	s1 =	simm.s32 $0x10A00;
	[sflag:s19] =	ssyncadd.s32 $0xFFFF0000  }
0x10f: {  	[hbm4b:s13+s26] =	stream.strided.scatter [tilespmem:s1], [sflag:$0x2], $0x2000, s28, s26, $0x38;
	[tilespmem:$0x1E200] =	vst v63  }
0x110: {  	_ =	swait.ge [sflag:s19], $0x2000  }
0x111: {  	[sflag:s19] =	ssyncset.done $0x0  }
0x112: {  	s29 =	simm.s32 $0x12A00;
	[sflag:s19] =	ssyncadd.s32 $0xFFFFE000  }
0x113: {  	[hbm4b:s14+s26] =	stream.strided.scatter [tilespmem:s29], [sflag:$0x2], $0x2000, s28, s26, $0x38;
	[tilespmem:$0x1E200] =	vst v63  }
0x114: {  	_ =	swait.ge [sflag:s19], $0x2000  }
0x115: {  	[sflag:s19] =	ssyncset.done $0x0  }
0x116: {  	s30 =	simm.s32 $0x14A00;
	[sflag:s19] =	ssyncadd.s32 $0xFFFFE000  }
0x117: {  	[hbm4b:s16+s26] =	stream.strided.scatter [tilespmem:s30], [sflag:$0x2], $0x2000, s28, s26, $0x38;
	[tilespmem:$0x1E200] =	vst v63  }
0x118: {  	s0 =	sadd.s32 $0x1, s0;
	_ =	swait.ge [sflag:s19], $0x2000  }
0x119: {  	p0 =	sne.s32 s0, s18;
	[sflag:s19] =	ssyncset.done $0x0  }
.Ltmp1:
0x11a: {  	s31 =	simm.s32 $0x16A00;
	[sflag:s19] =	ssyncadd.s32 $0xFFFFE000;
	(pc) =	sbr.rel @p0 .LBB2_1-.Ltmp1, $4  }
0x11b: {  	[hbm4b:s17+s26] =	stream.strided.scatter [tilespmem:s31], [sflag:$0x2], $0x2000, s28, s26, $0x38;
	[tilespmem:$0x1E200] =	vst v63  }
0x11c: {  	_ =	swait.ge [sflag:s19], $0x2000  }
0x11d: {  	[sflag:s19] =	ssyncset.done $0x0  }
0x11e: {  	[sflag:s19] =	ssyncadd.s32 $0xFFFFE000  }
0x11f: {  	_ =	sfence.sel $0x180000  }
0x120: {  	[bflag:$0x0] =	sbarrier.arrive $0xFFFF  }
0x121: {  	_ =	strace $0x90000047  }
0x122: {  	s0 =	stileid.u32;
	[bflag:$0x2] =	sbarrier.arrive $0xFFFF  }
0x123: {  	p0 =	sne.s32 s0, $0x0;
	s0 =	rddreg [dreg:$0x8]  }
0x124: {  	s0 =	sadd.s32 @!p0 $0x100000, s0  }
0x125: {  	[sflag:s0] =	ssyncadd.tile.s32 @!p0 $0x1;
	_ =	shalt  }
.Lfunc_end2:
_tile_overlayer_lowered:
.L_overlay_start_2:
0x126: {  	(tag) =	ssettag $0x2  }
0x127: {  	s0 =	rddreg [dreg:$0x0];
	s2 =	stileid.u32  }
0x128: {  	s1 =	rddreg [dreg:$0x1];
	p0 =	sne.s32 s2, $0x0  }
0x129: {  	s3 =	rddreg [dreg:$0x2];
	[bflag:$0x3] =	sbarrier.arrive $0xFFFF;
	s2 =	simm.s32 @!p0 $0x1C02  }
0x12a: {  	[timem:s3], [sflag:s2] =	dma.local @!p0 [hbm:s0], s1  }
0x12b: {  	s0 =	simm.s32 @!p0 $0x2  }
0x12c: {  	_ =	swait.ge @!p0 [sflag:s0], s1  }
0x12d: {  	s1 =	ssub.s32 @!p0 $0x0, s1;
	[sflag:s0] =	ssyncset.done @!p0 $0x0  }
0x12e: {  	[sflag:s0] =	ssyncadd.s32 @!p0 s1  }
0x12f: {  	[bflag:$0x3] =	sbarrier.arrive $0xFFFF  }
0x130: {  	_ =	shalt  }

</sc_bundles>
